<compile_context>
chip_gen: v7x
topology: tpu7x:2x2x1
jax: 0.10.2.dev20260603
libtpu: 0.0.44.dev20260713+nightly
codegen_flags: <defaults>
</compile_context>

<pallas_src>
import functools

import jax
import jax.numpy as jnp
from jax import lax
from jax.experimental import pallas as pl
from jax.experimental.pallas import tpu as pltpu
from jax.experimental.pallas import tpu_sc as plsc

N = 10000
E = 320000
D = 128

_NC, _NS, _L = 2, 16, 16
_NW = _NC * _NS
_R_MAIN = 78
_R_TAIL = E // D - 31 * _R_MAIN
_R_CHUNK = 39
_N_CHUNKS = _R_MAIN // _R_CHUNK
_E_MAIN = _R_MAIN * D
_E_TAIL = _R_TAIL * D
_E_CHUNK = _R_CHUNK * D
_GROUPS_PER_ROW = D // _L

def _scores_body(x_ref, w_ref, b_ref, out_ref):
    z = lax.dot_general(
        w_ref[...], x_ref[...],
        dimension_numbers=(((1,), (1,)), ((), ())),
        preferred_element_type=jnp.float32,
    )
    out_ref[...] = jax.nn.sigmoid(z[0] + b_ref[0])


def _compute_scores(x, W, b):
    return pl.pallas_call(
        _scores_body,
        out_shape=jax.ShapeDtypeStruct((N,), jnp.float32),
        in_specs=[
            pl.BlockSpec(memory_space=pltpu.VMEM),
            pl.BlockSpec(memory_space=pltpu.VMEM),
            pl.BlockSpec(memory_space=pltpu.SMEM),
        ],
        out_specs=pl.BlockSpec(memory_space=pltpu.VMEM),
    )(x, W, b)


@functools.cache
def _build_edge_kernel():
    mesh = plsc.VectorSubcoreMesh(core_axis_name="c", subcore_axis_name="s")
    return pl.kernel(
        _edge_body,
        out_type=jax.ShapeDtypeStruct((E // D, 1, D), jnp.float32),
        mesh=mesh,
        scratch_types=[
            pltpu.VMEM((N,), jnp.float32),
            pltpu.VMEM((2, _E_TAIL), jnp.int32),
            pltpu.VMEM((_R_TAIL, 1, D), jnp.float32),
            pltpu.SemaphoreType.DMA,
            pltpu.SemaphoreType.DMA,
            pltpu.SemaphoreType.DMA,
        ],
        compiler_params=pltpu.CompilerParams(needs_layout_passes=False),
    )


def _edge_body(scores_hbm, edge_hbm, out_hbm, scores_v, rc_v, out_v, sem, sem_t, sem_st):
    wid = lax.axis_index("s") * _NC + lax.axis_index("c")
    is_tail = wid == _NW - 1
    base = wid * _E_MAIN
    row_base = wid * _R_MAIN

    cp_s = pltpu.async_copy(scores_hbm, scores_v, sem)
    cp_idx = [
        pltpu.async_copy(
            edge_hbm.at[:, pl.ds(base + k * _E_CHUNK, _E_CHUNK)],
            rc_v.at[:, pl.ds(k * _E_CHUNK, _E_CHUNK)],
            sem,
        )
        for k in range(_N_CHUNKS)
    ]

    @pl.when(is_tail)
    def _():
        pltpu.async_copy(
            edge_hbm.at[:, pl.ds(32 * _E_MAIN, _E_TAIL - _E_MAIN)],
            rc_v.at[:, pl.ds(_E_MAIN, _E_TAIL - _E_MAIN)],
            sem_t,
        )

    def row_body(r):
        idx = []
        for j in range(_GROUPS_PER_ROW):
            off = r * D + j * _L
            idx.append((rc_v[0, pl.ds(off, _L)], rc_v[1, pl.ds(off, _L)]))
        gath = [
            (plsc.load_gather(scores_v, [rr]), plsc.load_gather(scores_v, [cc]))
            for rr, cc in idx
        ]
        for j, (sr, sc) in enumerate(gath):
            out_v[r, 0, pl.ds(j * _L, _L)] = sr * sc

    cp_s.wait()
    cp_out = []
    for k in range(_N_CHUNKS):
        cp_idx[k].wait()
        plsc.parallel_loop(k * _R_CHUNK, (k + 1) * _R_CHUNK, 1)(row_body)
        cp_out.append(
            pltpu.async_copy(
                out_v.at[pl.ds(k * _R_CHUNK, _R_CHUNK), :, :],
                out_hbm.at[pl.ds(row_base + k * _R_CHUNK, _R_CHUNK), :, :],
                sem_st,
            )
        )

    @pl.when(is_tail)
    def _():
        pltpu.make_async_copy(
            edge_hbm.at[:, pl.ds(32 * _E_MAIN, _E_TAIL - _E_MAIN)],
            rc_v.at[:, pl.ds(_E_MAIN, _E_TAIL - _E_MAIN)],
            sem_t,
        ).wait()
        plsc.parallel_loop(_R_MAIN, _R_TAIL, 1)(row_body)
        pltpu.sync_copy(
            out_v.at[pl.ds(_R_MAIN, _R_TAIL - _R_MAIN), :, :],
            out_hbm.at[pl.ds(31 * _R_MAIN + _R_MAIN, _R_TAIL - _R_MAIN), :, :],
        )

    for cp in cp_out:
        cp.wait()


def kernel(x, edge_index, W, b):
    scores = _compute_scores(x, W, b)
    attn = _build_edge_kernel()(scores, edge_index.astype(jnp.int32))
    return attn.reshape(E, 1)

# --- scband reference (transcript-rebuilt; emitter-appended) ---
"""Pipeline reference for scband-attention-layer-52956946760186 (READ-ONLY COPY).

The authoritative reference and input builder live on the scoring server;
editing this copy changes nothing except your own understanding.
"""

import jax, jax.numpy as jnp
import numpy as np

N = 10000
E = 320000
D = 128

def setup_inputs(seed: int = 0) -> dict:
    key = jax.random.key(seed)
    k1, k2, k3, k4 = jax.random.split(key, 4)
    x = jax.random.normal(k1, (N, D), dtype=jnp.float32)
    edge_index = jax.random.randint(k2, (2, E), 0, N, dtype=jnp.int64)
    # Linear(in_channels, 1): weight [1, D], bias [1]
    bound = 1.0 / np.sqrt(D)
    W = jax.random.uniform(k3, (1, D), minval=-bound, maxval=bound, dtype=jnp.float32)
    b = jax.random.uniform(k4, (1,), minval=-bound, maxval=bound, dtype=jnp.float32)
    return {"x": x, "edge_index": edge_index, "W": W, "b": b}

def reference(x, edge_index, W, b):
    attn_scores = x @ W.T + b          # [N, 1]
    attn_scores = jax.nn.sigmoid(attn_scores)
    row = edge_index[0]
    col = edge_index[1]
    attn_weights = jnp.take(attn_scores, row, axis=0) * jnp.take(attn_scores, col, axis=0)  # [E, 1]
    return attn_weights

if __name__ == "__main__":
    import jax
    _d = setup_inputs()
    print(jax.jit(kernel)(*tuple(_d.values())))

</pallas_src>

<mosaic_0001>
#map = affine_map<(d0, d1) -> (0)>
#map1 = affine_map<(d0, d1) -> (0, 0)>
#map2 = affine_map<(d0, d1) -> (0, 0, 0)>
module attributes {stable_mosaic.version = 14 : i64} {
  func.func @_edge_body(%arg0: i32, %arg1: i32, %arg2: memref<10000xf32, #tpu.memory_space<hbm>>, %arg3: memref<2x320000xi32, #tpu.memory_space<hbm>>, %arg4: memref<2500x1x128xf32, #tpu.memory_space<hbm>>, %arg5: memref<10000xf32, #tpu.memory_space<vmem>>, %arg6: memref<2x10496xi32, #tpu.memory_space<vmem>>, %arg7: memref<82x1x128xf32, #tpu.memory_space<vmem>>, %arg8: memref<!tpu.dma_semaphore, #tpu.memory_space<semaphore_mem>>, %arg9: memref<!tpu.dma_semaphore, #tpu.memory_space<semaphore_mem>>, %arg10: memref<!tpu.dma_semaphore, #tpu.memory_space<semaphore_mem>>) attributes {dimension_semantics = [#tpu.dimension_semantics<core_parallel>, #tpu.dimension_semantics<subcore_parallel>], iteration_bounds = array<i64: 2, 16>, scalar_prefetch = 0 : i64, scratch_operands = 6 : i64, tpu.core_type = #tpu.core_type<sc_vector_subcore>, window_params = [{transform_indices = #map}, {transform_indices = #map1}, {transform_indices = #map2}]} {
    %mul3A = arith.constant 2 : i32
    %mul3A_0 = arith.muli %arg1, %mul3A : i32
    %add3A = arith.addi %mul3A_0, %arg0 : i32
    %eq3A = arith.constant 31 : i32
    %eq3A_1 = arith.cmpi eq, %add3A, %eq3A : i32
    %mul3A_2 = arith.constant 9984 : i32
    %mul3A_3 = arith.muli %add3A, %mul3A_2 : i32
    %mul3A_4 = arith.constant 78 : i32
    %mul3A_5 = arith.muli %add3A, %mul3A_4 : i32
    tpu.enqueue_dma source(%arg2 : memref<10000xf32, #tpu.memory_space<hbm>>) target(%arg5 : memref<10000xf32, #tpu.memory_space<vmem>>) target_semaphore(%arg8 : memref<!tpu.dma_semaphore, #tpu.memory_space<semaphore_mem>>)
    %add3A_6 = arith.constant 0 : i32
    %add3A_7 = arith.addi %mul3A_3, %add3A_6 : i32
    %dma_start3A = arith.constant 0 : i32
    %dma_start3A_8 = arith.constant 0 : i32
    %dma_start3A_9 = tpu.memref_slice %arg6[%dma_start3A, %dma_start3A_8] : memref<2x10496xi32, #tpu.memory_space<vmem>> -> memref<2x4992xi32, #tpu.memory_space<vmem>>
    %dma_start3A_10 = arith.constant 0 : i32
    %dma_start3A_11 = tpu.memref_slice %arg3[%dma_start3A_10, %add3A_7] : memref<2x320000xi32, #tpu.memory_space<hbm>> -> memref<2x4992xi32, #tpu.memory_space<hbm>>
    %dma_start3A_12 = arith.constant 0 : i32
    %dma_start3A_13 = arith.constant 0 : i32
    %dma_start3A_14 = tpu.memref_slice %arg6[%dma_start3A_12, %dma_start3A_13] : memref<2x10496xi32, #tpu.memory_space<vmem>> -> memref<2x4992xi32, #tpu.memory_space<vmem>>
    %dma_start3A_15 = arith.constant 0 : i32
    %dma_start3A_16 = tpu.memref_slice %arg3[%dma_start3A_15, %add3A_7] : memref<2x320000xi32, #tpu.memory_space<hbm>> -> memref<2x4992xi32, #tpu.memory_space<hbm>>
    tpu.enqueue_dma source(%dma_start3A_16 : memref<2x4992xi32, #tpu.memory_space<hbm>>) target(%dma_start3A_14 : memref<2x4992xi32, #tpu.memory_space<vmem>>) target_semaphore(%arg8 : memref<!tpu.dma_semaphore, #tpu.memory_space<semaphore_mem>>)
    %add3A_17 = arith.constant 4992 : i32
    %add3A_18 = arith.addi %mul3A_3, %add3A_17 : i32
    %dma_start3A_19 = arith.constant 0 : i32
    %dma_start3A_20 = arith.constant 4992 : i32
    %dma_start3A_21 = tpu.memref_slice %arg6[%dma_start3A_19, %dma_start3A_20] : memref<2x10496xi32, #tpu.memory_space<vmem>> -> memref<2x4992xi32, #tpu.memory_space<vmem>>
    %dma_start3A_22 = arith.constant 0 : i32
    %dma_start3A_23 = tpu.memref_slice %arg3[%dma_start3A_22, %add3A_18] : memref<2x320000xi32, #tpu.memory_space<hbm>> -> memref<2x4992xi32, #tpu.memory_space<hbm>>
    %dma_start3A_24 = arith.constant 0 : i32
    %dma_start3A_25 = arith.constant 4992 : i32
    %dma_start3A_26 = tpu.memref_slice %arg6[%dma_start3A_24, %dma_start3A_25] : memref<2x10496xi32, #tpu.memory_space<vmem>> -> memref<2x4992xi32, #tpu.memory_space<vmem>>
    %dma_start3A_27 = arith.constant 0 : i32
    %dma_start3A_28 = tpu.memref_slice %arg3[%dma_start3A_27, %add3A_18] : memref<2x320000xi32, #tpu.memory_space<hbm>> -> memref<2x4992xi32, #tpu.memory_space<hbm>>
    tpu.enqueue_dma source(%dma_start3A_28 : memref<2x4992xi32, #tpu.memory_space<hbm>>) target(%dma_start3A_26 : memref<2x4992xi32, #tpu.memory_space<vmem>>) target_semaphore(%arg8 : memref<!tpu.dma_semaphore, #tpu.memory_space<semaphore_mem>>)
    %convert_element_type3A = arith.extui %eq3A_1 : i1 to i32
    %cond3A = arith.constant 0 : i32
    %cond3A_29 = arith.cmpi ne, %convert_element_type3A, %cond3A : i32
    scf.if %cond3A_29 {
      %dma_start3A_117 = arith.constant 0 : i32
      %dma_start3A_118 = arith.constant 9984 : i32
      %dma_start3A_119 = tpu.memref_slice %arg6[%dma_start3A_117, %dma_start3A_118] : memref<2x10496xi32, #tpu.memory_space<vmem>> -> memref<2x512xi32, #tpu.memory_space<vmem>>
      %dma_start3A_120 = arith.constant 0 : i32
      %dma_start3A_121 = arith.constant 319488 : i32
      %dma_start3A_122 = tpu.memref_slice %arg3[%dma_start3A_120, %dma_start3A_121] : memref<2x320000xi32, #tpu.memory_space<hbm>> -> memref<2x512xi32, #tpu.memory_space<hbm>>
      %dma_start3A_123 = arith.constant 0 : i32
      %dma_start3A_124 = arith.constant 9984 : i32
      %dma_start3A_125 = tpu.memref_slice %arg6[%dma_start3A_123, %dma_start3A_124] : memref<2x10496xi32, #tpu.memory_space<vmem>> -> memref<2x512xi32, #tpu.memory_space<vmem>>
      %dma_start3A_126 = arith.constant 0 : i32
      %dma_start3A_127 = arith.constant 319488 : i32
      %dma_start3A_128 = tpu.memref_slice %arg3[%dma_start3A_126, %dma_start3A_127] : memref<2x320000xi32, #tpu.memory_space<hbm>> -> memref<2x512xi32, #tpu.memory_space<hbm>>
      tpu.enqueue_dma source(%dma_start3A_128 : memref<2x512xi32, #tpu.memory_space<hbm>>) target(%dma_start3A_125 : memref<2x512xi32, #tpu.memory_space<vmem>>) target_semaphore(%arg9 : memref<!tpu.dma_semaphore, #tpu.memory_space<semaphore_mem>>)
    } else {
    }
    tpu.wait_dma2 semaphore(%arg8 : memref<!tpu.dma_semaphore, #tpu.memory_space<semaphore_mem>>) src(%arg2 : memref<10000xf32, #tpu.memory_space<hbm>>) dst(%arg5 : memref<10000xf32, #tpu.memory_space<vmem>>)
    %dma_wait3A = arith.constant 0 : i32
    %dma_wait3A_30 = arith.constant 0 : i32
    %dma_wait3A_31 = tpu.memref_slice %arg6[%dma_wait3A, %dma_wait3A_30] : memref<2x10496xi32, #tpu.memory_space<vmem>> -> memref<2x4992xi32, #tpu.memory_space<vmem>>
    %dma_wait3A_32 = arith.constant 0 : i32
    %dma_wait3A_33 = tpu.memref_slice %arg3[%dma_wait3A_32, %add3A_7] : memref<2x320000xi32, #tpu.memory_space<hbm>> -> memref<2x4992xi32, #tpu.memory_space<hbm>>
    %dma_wait3A_34 = arith.constant 0 : i32
    %dma_wait3A_35 = arith.constant 0 : i32
    %dma_wait3A_36 = tpu.memref_slice %arg6[%dma_wait3A_34, %dma_wait3A_35] : memref<2x10496xi32, #tpu.memory_space<vmem>> -> memref<2x4992xi32, #tpu.memory_space<vmem>>
    %dma_wait3A_37 = arith.constant 0 : i32
    %dma_wait3A_38 = tpu.memref_slice %arg3[%dma_wait3A_37, %add3A_7] : memref<2x320000xi32, #tpu.memory_space<hbm>> -> memref<2x4992xi32, #tpu.memory_space<hbm>>
    tpu.wait_dma2 semaphore(%arg8 : memref<!tpu.dma_semaphore, #tpu.memory_space<semaphore_mem>>) src(%dma_wait3A_38 : memref<2x4992xi32, #tpu.memory_space<hbm>>) dst(%dma_wait3A_36 : memref<2x4992xi32, #tpu.memory_space<vmem>>)
    %parallel_loop3A = arith.constant 0 : i32
    %parallel_loop3A_39 = arith.constant 39 : i32
    %parallel_loop3A_40 = arith.constant 1 : i32
    scf.for %parallel_loop3A_117 = %parallel_loop3A to %parallel_loop3A_39 step %parallel_loop3A_40  : i32 {
      %parallel_loop3A_118 = arith.constant 128 : i32
      %parallel_loop3A_119 = arith.muli %parallel_loop3A_117, %parallel_loop3A_118 : i32
      %parallel_loop3A_120 = arith.constant 0 : i32
      %parallel_loop3A_121 = arith.addi %parallel_loop3A_119, %parallel_loop3A_120 : i32
      %parallel_loop3A_122 = arith.constant 0 : i32
      %parallel_loop3A_123 = arith.index_cast %parallel_loop3A_122 : i32 to index
      %parallel_loop3A_124 = arith.index_cast %parallel_loop3A_121 : i32 to index
      %parallel_loop3A_125 = tpu.vector_load %arg6[%parallel_loop3A_123, %parallel_loop3A_124] {strides = array<i32>} : memref<2x10496xi32, #tpu.memory_space<vmem>>, vector<16xi32>,
      %parallel_loop3A_126 = arith.constant 1 : i32
      %parallel_loop3A_127 = arith.index_cast %parallel_loop3A_126 : i32 to index
      %parallel_loop3A_128 = arith.index_cast %parallel_loop3A_121 : i32 to index
      %parallel_loop3A_129 = tpu.vector_load %arg6[%parallel_loop3A_127, %parallel_loop3A_128] {strides = array<i32>} : memref<2x10496xi32, #tpu.memory_space<vmem>>, vector<16xi32>,
      %parallel_loop3A_130 = arith.constant 128 : i32
      %parallel_loop3A_131 = arith.muli %parallel_loop3A_117, %parallel_loop3A_130 : i32
      %parallel_loop3A_132 = arith.constant 16 : i32
      %parallel_loop3A_133 = arith.addi %parallel_loop3A_131, %parallel_loop3A_132 : i32
      %parallel_loop3A_134 = arith.constant 0 : i32
      %parallel_loop3A_135 = arith.index_cast %parallel_loop3A_134 : i32 to index
      %parallel_loop3A_136 = arith.index_cast %parallel_loop3A_133 : i32 to index
      %parallel_loop3A_137 = tpu.vector_load %arg6[%parallel_loop3A_135, %parallel_loop3A_136] {strides = array<i32>} : memref<2x10496xi32, #tpu.memory_space<vmem>>, vector<16xi32>,
      %parallel_loop3A_138 = arith.constant 1 : i32
      %parallel_loop3A_139 = arith.index_cast %parallel_loop3A_138 : i32 to index
      %parallel_loop3A_140 = arith.index_cast %parallel_loop3A_133 : i32 to index
      %parallel_loop3A_141 = tpu.vector_load %arg6[%parallel_loop3A_139, %parallel_loop3A_140] {strides = array<i32>} : memref<2x10496xi32, #tpu.memory_space<vmem>>, vector<16xi32>,
      %parallel_loop3A_142 = arith.constant 128 : i32
      %parallel_loop3A_143 = arith.muli %parallel_loop3A_117, %parallel_loop3A_142 : i32
      %parallel_loop3A_144 = arith.constant 32 : i32
      %parallel_loop3A_145 = arith.addi %parallel_loop3A_143, %parallel_loop3A_144 : i32
      %parallel_loop3A_146 = arith.constant 0 : i32
      %parallel_loop3A_147 = arith.index_cast %parallel_loop3A_146 : i32 to index
      %parallel_loop3A_148 = arith.index_cast %parallel_loop3A_145 : i32 to index
      %parallel_loop3A_149 = tpu.vector_load %arg6[%parallel_loop3A_147, %parallel_loop3A_148] {strides = array<i32>} : memref<2x10496xi32, #tpu.memory_space<vmem>>, vector<16xi32>,
      %parallel_loop3A_150 = arith.constant 1 : i32
      %parallel_loop3A_151 = arith.index_cast %parallel_loop3A_150 : i32 to index
      %parallel_loop3A_152 = arith.index_cast %parallel_loop3A_145 : i32 to index
      %parallel_loop3A_153 = tpu.vector_load %arg6[%parallel_loop3A_151, %parallel_loop3A_152] {strides = array<i32>} : memref<2x10496xi32, #tpu.memory_space<vmem>>, vector<16xi32>,
      %parallel_loop3A_154 = arith.constant 128 : i32
      %parallel_loop3A_155 = arith.muli %parallel_loop3A_117, %parallel_loop3A_154 : i32
      %parallel_loop3A_156 = arith.constant 48 : i32
      %parallel_loop3A_157 = arith.addi %parallel_loop3A_155, %parallel_loop3A_156 : i32
      %parallel_loop3A_158 = arith.constant 0 : i32
      %parallel_loop3A_159 = arith.index_cast %parallel_loop3A_158 : i32 to index
      %parallel_loop3A_160 = arith.index_cast %parallel_loop3A_157 : i32 to index
      %parallel_loop3A_161 = tpu.vector_load %arg6[%parallel_loop3A_159, %parallel_loop3A_160] {strides = array<i32>} : memref<2x10496xi32, #tpu.memory_space<vmem>>, vector<16xi32>,
      %parallel_loop3A_162 = arith.constant 1 : i32
      %parallel_loop3A_163 = arith.index_cast %parallel_loop3A_162 : i32 to index
      %parallel_loop3A_164 = arith.index_cast %parallel_loop3A_157 : i32 to index
      %parallel_loop3A_165 = tpu.vector_load %arg6[%parallel_loop3A_163, %parallel_loop3A_164] {strides = array<i32>} : memref<2x10496xi32, #tpu.memory_space<vmem>>, vector<16xi32>,
      %parallel_loop3A_166 = arith.constant 128 : i32
      %parallel_loop3A_167 = arith.muli %parallel_loop3A_117, %parallel_loop3A_166 : i32
      %parallel_loop3A_168 = arith.constant 64 : i32
      %parallel_loop3A_169 = arith.addi %parallel_loop3A_167, %parallel_loop3A_168 : i32
      %parallel_loop3A_170 = arith.constant 0 : i32
      %parallel_loop3A_171 = arith.index_cast %parallel_loop3A_170 : i32 to index
      %parallel_loop3A_172 = arith.index_cast %parallel_loop3A_169 : i32 to index
      %parallel_loop3A_173 = tpu.vector_load %arg6[%parallel_loop3A_171, %parallel_loop3A_172] {strides = array<i32>} : memref<2x10496xi32, #tpu.memory_space<vmem>>, vector<16xi32>,
      %parallel_loop3A_174 = arith.constant 1 : i32
      %parallel_loop3A_175 = arith.index_cast %parallel_loop3A_174 : i32 to index
      %parallel_loop3A_176 = arith.index_cast %parallel_loop3A_169 : i32 to index
      %parallel_loop3A_177 = tpu.vector_load %arg6[%parallel_loop3A_175, %parallel_loop3A_176] {strides = array<i32>} : memref<2x10496xi32, #tpu.memory_space<vmem>>, vector<16xi32>,
      %parallel_loop3A_178 = arith.constant 128 : i32
      %parallel_loop3A_179 = arith.muli %parallel_loop3A_117, %parallel_loop3A_178 : i32
      %parallel_loop3A_180 = arith.constant 80 : i32
      %parallel_loop3A_181 = arith.addi %parallel_loop3A_179, %parallel_loop3A_180 : i32
      %parallel_loop3A_182 = arith.constant 0 : i32
      %parallel_loop3A_183 = arith.index_cast %parallel_loop3A_182 : i32 to index
      %parallel_loop3A_184 = arith.index_cast %parallel_loop3A_181 : i32 to index
      %parallel_loop3A_185 = tpu.vector_load %arg6[%parallel_loop3A_183, %parallel_loop3A_184] {strides = array<i32>} : memref<2x10496xi32, #tpu.memory_space<vmem>>, vector<16xi32>,
      %parallel_loop3A_186 = arith.constant 1 : i32
      %parallel_loop3A_187 = arith.index_cast %parallel_loop3A_186 : i32 to index
      %parallel_loop3A_188 = arith.index_cast %parallel_loop3A_181 : i32 to index
      %parallel_loop3A_189 = tpu.vector_load %arg6[%parallel_loop3A_187, %parallel_loop3A_188] {strides = array<i32>} : memref<2x10496xi32, #tpu.memory_space<vmem>>, vector<16xi32>,
      %parallel_loop3A_190 = arith.constant 128 : i32
      %parallel_loop3A_191 = arith.muli %parallel_loop3A_117, %parallel_loop3A_190 : i32
      %parallel_loop3A_192 = arith.constant 96 : i32
      %parallel_loop3A_193 = arith.addi %parallel_loop3A_191, %parallel_loop3A_192 : i32
      %parallel_loop3A_194 = arith.constant 0 : i32
      %parallel_loop3A_195 = arith.index_cast %parallel_loop3A_194 : i32 to index
      %parallel_loop3A_196 = arith.index_cast %parallel_loop3A_193 : i32 to index
      %parallel_loop3A_197 = tpu.vector_load %arg6[%parallel_loop3A_195, %parallel_loop3A_196] {strides = array<i32>} : memref<2x10496xi32, #tpu.memory_space<vmem>>, vector<16xi32>,
      %parallel_loop3A_198 = arith.constant 1 : i32
      %parallel_loop3A_199 = arith.index_cast %parallel_loop3A_198 : i32 to index
      %parallel_loop3A_200 = arith.index_cast %parallel_loop3A_193 : i32 to index
      %parallel_loop3A_201 = tpu.vector_load %arg6[%parallel_loop3A_199, %parallel_loop3A_200] {strides = array<i32>} : memref<2x10496xi32, #tpu.memory_space<vmem>>, vector<16xi32>,
      %parallel_loop3A_202 = arith.constant 128 : i32
      %parallel_loop3A_203 = arith.muli %parallel_loop3A_117, %parallel_loop3A_202 : i32
      %parallel_loop3A_204 = arith.constant 112 : i32
      %parallel_loop3A_205 = arith.addi %parallel_loop3A_203, %parallel_loop3A_204 : i32
      %parallel_loop3A_206 = arith.constant 0 : i32
      %parallel_loop3A_207 = arith.index_cast %parallel_loop3A_206 : i32 to index
      %parallel_loop3A_208 = arith.index_cast %parallel_loop3A_205 : i32 to index
      %parallel_loop3A_209 = tpu.vector_load %arg6[%parallel_loop3A_207, %parallel_loop3A_208] {strides = array<i32>} : memref<2x10496xi32, #tpu.memory_space<vmem>>, vector<16xi32>,
      %parallel_loop3A_210 = arith.constant 1 : i32
      %parallel_loop3A_211 = arith.index_cast %parallel_loop3A_210 : i32 to index
      %parallel_loop3A_212 = arith.index_cast %parallel_loop3A_205 : i32 to index
      %parallel_loop3A_213 = tpu.vector_load %arg6[%parallel_loop3A_211, %parallel_loop3A_212] {strides = array<i32>} : memref<2x10496xi32, #tpu.memory_space<vmem>>, vector<16xi32>,
      %parallel_loop3A_214 = tpu.vector_load_idx %arg5[%parallel_loop3A_125] : memref<10000xf32, #tpu.memory_space<vmem>>[vector<16xi32>], vector<16xf32>,
      %parallel_loop3A_215 = tpu.vector_load_idx %arg5[%parallel_loop3A_129] : memref<10000xf32, #tpu.memory_space<vmem>>[vector<16xi32>], vector<16xf32>,
      %parallel_loop3A_216 = tpu.vector_load_idx %arg5[%parallel_loop3A_137] : memref<10000xf32, #tpu.memory_space<vmem>>[vector<16xi32>], vector<16xf32>,
      %parallel_loop3A_217 = tpu.vector_load_idx %arg5[%parallel_loop3A_141] : memref<10000xf32, #tpu.memory_space<vmem>>[vector<16xi32>], vector<16xf32>,
      %parallel_loop3A_218 = tpu.vector_load_idx %arg5[%parallel_loop3A_149] : memref<10000xf32, #tpu.memory_space<vmem>>[vector<16xi32>], vector<16xf32>,
      %parallel_loop3A_219 = tpu.vector_load_idx %arg5[%parallel_loop3A_153] : memref<10000xf32, #tpu.memory_space<vmem>>[vector<16xi32>], vector<16xf32>,
      %parallel_loop3A_220 = tpu.vector_load_idx %arg5[%parallel_loop3A_161] : memref<10000xf32, #tpu.memory_space<vmem>>[vector<16xi32>], vector<16xf32>,
      %parallel_loop3A_221 = tpu.vector_load_idx %arg5[%parallel_loop3A_165] : memref<10000xf32, #tpu.memory_space<vmem>>[vector<16xi32>], vector<16xf32>,
      %parallel_loop3A_222 = tpu.vector_load_idx %arg5[%parallel_loop3A_173] : memref<10000xf32, #tpu.memory_space<vmem>>[vector<16xi32>], vector<16xf32>,
      %parallel_loop3A_223 = tpu.vector_load_idx %arg5[%parallel_loop3A_177] : memref<10000xf32, #tpu.memory_space<vmem>>[vector<16xi32>], vector<16xf32>,
      %parallel_loop3A_224 = tpu.vector_load_idx %arg5[%parallel_loop3A_185] : memref<10000xf32, #tpu.memory_space<vmem>>[vector<16xi32>], vector<16xf32>,
      %parallel_loop3A_225 = tpu.vector_load_idx %arg5[%parallel_loop3A_189] : memref<10000xf32, #tpu.memory_space<vmem>>[vector<16xi32>], vector<16xf32>,
      %parallel_loop3A_226 = tpu.vector_load_idx %arg5[%parallel_loop3A_197] : memref<10000xf32, #tpu.memory_space<vmem>>[vector<16xi32>], vector<16xf32>,
      %parallel_loop3A_227 = tpu.vector_load_idx %arg5[%parallel_loop3A_201] : memref<10000xf32, #tpu.memory_space<vmem>>[vector<16xi32>], vector<16xf32>,
      %parallel_loop3A_228 = tpu.vector_load_idx %arg5[%parallel_loop3A_209] : memref<10000xf32, #tpu.memory_space<vmem>>[vector<16xi32>], vector<16xf32>,
      %parallel_loop3A_229 = tpu.vector_load_idx %arg5[%parallel_loop3A_213] : memref<10000xf32, #tpu.memory_space<vmem>>[vector<16xi32>], vector<16xf32>,
      %parallel_loop3A_230 = arith.mulf %parallel_loop3A_214, %parallel_loop3A_215 : vector<16xf32>
      %parallel_loop3A_231 = arith.constant 0 : i32
      %parallel_loop3A_232 = arith.index_cast %parallel_loop3A_117 : i32 to index
      %parallel_loop3A_233 = arith.index_cast %parallel_loop3A_231 : i32 to index
      %parallel_loop3A_234 = arith.constant 0 : index
      %parallel_loop3A_235 = tpu.vector_load %arg7[%parallel_loop3A_232, %parallel_loop3A_233, %parallel_loop3A_234] {strides = array<i32>} : memref<82x1x128xf32, #tpu.memory_space<vmem>>, vector<16xf32>,
      tpu.vector_store %arg7[%parallel_loop3A_232, %parallel_loop3A_233, %parallel_loop3A_234], %parallel_loop3A_230 {strides = array<i32>} : memref<82x1x128xf32, #tpu.memory_space<vmem>>, vector<16xf32>,
      %parallel_loop3A_236 = arith.mulf %parallel_loop3A_216, %parallel_loop3A_217 : vector<16xf32>
      %parallel_loop3A_237 = arith.constant 0 : i32
      %parallel_loop3A_238 = arith.index_cast %parallel_loop3A_117 : i32 to index
      %parallel_loop3A_239 = arith.index_cast %parallel_loop3A_237 : i32 to index
      %parallel_loop3A_240 = arith.constant 16 : index
      %parallel_loop3A_241 = tpu.vector_load %arg7[%parallel_loop3A_238, %parallel_loop3A_239, %parallel_loop3A_240] {strides = array<i32>} : memref<82x1x128xf32, #tpu.memory_space<vmem>>, vector<16xf32>,
      tpu.vector_store %arg7[%parallel_loop3A_238, %parallel_loop3A_239, %parallel_loop3A_240], %parallel_loop3A_236 {strides = array<i32>} : memref<82x1x128xf32, #tpu.memory_space<vmem>>, vector<16xf32>,
      %parallel_loop3A_242 = arith.mulf %parallel_loop3A_218, %parallel_loop3A_219 : vector<16xf32>
      %parallel_loop3A_243 = arith.constant 0 : i32
      %parallel_loop3A_244 = arith.index_cast %parallel_loop3A_117 : i32 to index
      %parallel_loop3A_245 = arith.index_cast %parallel_loop3A_243 : i32 to index
      %parallel_loop3A_246 = arith.constant 32 : index
      %parallel_loop3A_247 = tpu.vector_load %arg7[%parallel_loop3A_244, %parallel_loop3A_245, %parallel_loop3A_246] {strides = array<i32>} : memref<82x1x128xf32, #tpu.memory_space<vmem>>, vector<16xf32>,
      tpu.vector_store %arg7[%parallel_loop3A_244, %parallel_loop3A_245, %parallel_loop3A_246], %parallel_loop3A_242 {strides = array<i32>} : memref<82x1x128xf32, #tpu.memory_space<vmem>>, vector<16xf32>,
      %parallel_loop3A_248 = arith.mulf %parallel_loop3A_220, %parallel_loop3A_221 : vector<16xf32>
      %parallel_loop3A_249 = arith.constant 0 : i32
      %parallel_loop3A_250 = arith.index_cast %parallel_loop3A_117 : i32 to index
      %parallel_loop3A_251 = arith.index_cast %parallel_loop3A_249 : i32 to index
      %parallel_loop3A_252 = arith.constant 48 : index
      %parallel_loop3A_253 = tpu.vector_load %arg7[%parallel_loop3A_250, %parallel_loop3A_251, %parallel_loop3A_252] {strides = array<i32>} : memref<82x1x128xf32, #tpu.memory_space<vmem>>, vector<16xf32>,
      tpu.vector_store %arg7[%parallel_loop3A_250, %parallel_loop3A_251, %parallel_loop3A_252], %parallel_loop3A_248 {strides = array<i32>} : memref<82x1x128xf32, #tpu.memory_space<vmem>>, vector<16xf32>,
      %parallel_loop3A_254 = arith.mulf %parallel_loop3A_222, %parallel_loop3A_223 : vector<16xf32>
      %parallel_loop3A_255 = arith.constant 0 : i32
      %parallel_loop3A_256 = arith.index_cast %parallel_loop3A_117 : i32 to index
      %parallel_loop3A_257 = arith.index_cast %parallel_loop3A_255 : i32 to index
      %parallel_loop3A_258 = arith.constant 64 : index
      %parallel_loop3A_259 = tpu.vector_load %arg7[%parallel_loop3A_256, %parallel_loop3A_257, %parallel_loop3A_258] {strides = array<i32>} : memref<82x1x128xf32, #tpu.memory_space<vmem>>, vector<16xf32>,
      tpu.vector_store %arg7[%parallel_loop3A_256, %parallel_loop3A_257, %parallel_loop3A_258], %parallel_loop3A_254 {strides = array<i32>} : memref<82x1x128xf32, #tpu.memory_space<vmem>>, vector<16xf32>,
      %parallel_loop3A_260 = arith.mulf %parallel_loop3A_224, %parallel_loop3A_225 : vector<16xf32>
      %parallel_loop3A_261 = arith.constant 0 : i32
      %parallel_loop3A_262 = arith.index_cast %parallel_loop3A_117 : i32 to index
      %parallel_loop3A_263 = arith.index_cast %parallel_loop3A_261 : i32 to index
      %parallel_loop3A_264 = arith.constant 80 : index
      %parallel_loop3A_265 = tpu.vector_load %arg7[%parallel_loop3A_262, %parallel_loop3A_263, %parallel_loop3A_264] {strides = array<i32>} : memref<82x1x128xf32, #tpu.memory_space<vmem>>, vector<16xf32>,
      tpu.vector_store %arg7[%parallel_loop3A_262, %parallel_loop3A_263, %parallel_loop3A_264], %parallel_loop3A_260 {strides = array<i32>} : memref<82x1x128xf32, #tpu.memory_space<vmem>>, vector<16xf32>,
      %parallel_loop3A_266 = arith.mulf %parallel_loop3A_226, %parallel_loop3A_227 : vector<16xf32>
      %parallel_loop3A_267 = arith.constant 0 : i32
      %parallel_loop3A_268 = arith.index_cast %parallel_loop3A_117 : i32 to index
      %parallel_loop3A_269 = arith.index_cast %parallel_loop3A_267 : i32 to index
      %parallel_loop3A_270 = arith.constant 96 : index
      %parallel_loop3A_271 = tpu.vector_load %arg7[%parallel_loop3A_268, %parallel_loop3A_269, %parallel_loop3A_270] {strides = array<i32>} : memref<82x1x128xf32, #tpu.memory_space<vmem>>, vector<16xf32>,
      tpu.vector_store %arg7[%parallel_loop3A_268, %parallel_loop3A_269, %parallel_loop3A_270], %parallel_loop3A_266 {strides = array<i32>} : memref<82x1x128xf32, #tpu.memory_space<vmem>>, vector<16xf32>,
      %parallel_loop3A_272 = arith.mulf %parallel_loop3A_228, %parallel_loop3A_229 : vector<16xf32>
      %parallel_loop3A_273 = arith.constant 0 : i32
      %parallel_loop3A_274 = arith.index_cast %parallel_loop3A_117 : i32 to index
      %parallel_loop3A_275 = arith.index_cast %parallel_loop3A_273 : i32 to index
      %parallel_loop3A_276 = arith.constant 112 : index
      %parallel_loop3A_277 = tpu.vector_load %arg7[%parallel_loop3A_274, %parallel_loop3A_275, %parallel_loop3A_276] {strides = array<i32>} : memref<82x1x128xf32, #tpu.memory_space<vmem>>, vector<16xf32>,
      tpu.vector_store %arg7[%parallel_loop3A_274, %parallel_loop3A_275, %parallel_loop3A_276], %parallel_loop3A_272 {strides = array<i32>} : memref<82x1x128xf32, #tpu.memory_space<vmem>>, vector<16xf32>,
    } {sc.loop_unroll_factor = 1 : i64, sc.parallel_access}
    %add3A_41 = arith.constant 0 : i32
    %add3A_42 = arith.addi %mul3A_5, %add3A_41 : i32
    %dma_start3A_43 = arith.constant 0 : i32
    %dma_start3A_44 = arith.constant 0 : i32
    %dma_start3A_45 = arith.constant 0 : i32
    %dma_start3A_46 = tpu.memref_slice %arg7[%dma_start3A_43, %dma_start3A_44, %dma_start3A_45] : memref<82x1x128xf32, #tpu.memory_space<vmem>> -> memref<39x1x128xf32, #tpu.memory_space<vmem>>
    %dma_start3A_47 = arith.constant 0 : i32
    %dma_start3A_48 = arith.constant 0 : i32
    %dma_start3A_49 = tpu.memref_slice %arg4[%add3A_42, %dma_start3A_47, %dma_start3A_48] : memref<2500x1x128xf32, #tpu.memory_space<hbm>> -> memref<39x1x128xf32, #tpu.memory_space<hbm>>
    %dma_start3A_50 = arith.constant 0 : i32
    %dma_start3A_51 = arith.constant 0 : i32
    %dma_start3A_52 = tpu.memref_slice %arg4[%add3A_42, %dma_start3A_50, %dma_start3A_51] : memref<2500x1x128xf32, #tpu.memory_space<hbm>> -> memref<39x1x128xf32, #tpu.memory_space<hbm>>
    %dma_start3A_53 = arith.constant 0 : i32
    %dma_start3A_54 = arith.constant 0 : i32
    %dma_start3A_55 = arith.constant 0 : i32
    %dma_start3A_56 = tpu.memref_slice %arg7[%dma_start3A_53, %dma_start3A_54, %dma_start3A_55] : memref<82x1x128xf32, #tpu.memory_space<vmem>> -> memref<39x1x128xf32, #tpu.memory_space<vmem>>
    tpu.enqueue_dma source(%dma_start3A_56 : memref<39x1x128xf32, #tpu.memory_space<vmem>>) target(%dma_start3A_52 : memref<39x1x128xf32, #tpu.memory_space<hbm>>) target_semaphore(%arg10 : memref<!tpu.dma_semaphore, #tpu.memory_space<semaphore_mem>>)
    %dma_wait3A_57 = arith.constant 0 : i32
    %dma_wait3A_58 = arith.constant 4992 : i32
    %dma_wait3A_59 = tpu.memref_slice %arg6[%dma_wait3A_57, %dma_wait3A_58] : memref<2x10496xi32, #tpu.memory_space<vmem>> -> memref<2x4992xi32, #tpu.memory_space<vmem>>
    %dma_wait3A_60 = arith.constant 0 : i32
    %dma_wait3A_61 = tpu.memref_slice %arg3[%dma_wait3A_60, %add3A_18] : memref<2x320000xi32, #tpu.memory_space<hbm>> -> memref<2x4992xi32, #tpu.memory_space<hbm>>
    %dma_wait3A_62 = arith.constant 0 : i32
    %dma_wait3A_63 = arith.constant 4992 : i32
    %dma_wait3A_64 = tpu.memref_slice %arg6[%dma_wait3A_62, %dma_wait3A_63] : memref<2x10496xi32, #tpu.memory_space<vmem>> -> memref<2x4992xi32, #tpu.memory_space<vmem>>
    %dma_wait3A_65 = arith.constant 0 : i32
    %dma_wait3A_66 = tpu.memref_slice %arg3[%dma_wait3A_65, %add3A_18] : memref<2x320000xi32, #tpu.memory_space<hbm>> -> memref<2x4992xi32, #tpu.memory_space<hbm>>
    tpu.wait_dma2 semaphore(%arg8 : memref<!tpu.dma_semaphore, #tpu.memory_space<semaphore_mem>>) src(%dma_wait3A_66 : memref<2x4992xi32, #tpu.memory_space<hbm>>) dst(%dma_wait3A_64 : memref<2x4992xi32, #tpu.memory_space<vmem>>)
    %parallel_loop3A_67 = arith.constant 39 : i32
    %parallel_loop3A_68 = arith.constant 78 : i32
    %parallel_loop3A_69 = arith.constant 1 : i32
    scf.for %parallel_loop3A_117 = %parallel_loop3A_67 to %parallel_loop3A_68 step %parallel_loop3A_69  : i32 {
      %parallel_loop3A_118 = arith.constant 128 : i32
      %parallel_loop3A_119 = arith.muli %parallel_loop3A_117, %parallel_loop3A_118 : i32
      %parallel_loop3A_120 = arith.constant 0 : i32
      %parallel_loop3A_121 = arith.addi %parallel_loop3A_119, %parallel_loop3A_120 : i32
      %parallel_loop3A_122 = arith.constant 0 : i32
      %parallel_loop3A_123 = arith.index_cast %parallel_loop3A_122 : i32 to index
      %parallel_loop3A_124 = arith.index_cast %parallel_loop3A_121 : i32 to index
      %parallel_loop3A_125 = tpu.vector_load %arg6[%parallel_loop3A_123, %parallel_loop3A_124] {strides = array<i32>} : memref<2x10496xi32, #tpu.memory_space<vmem>>, vector<16xi32>,
      %parallel_loop3A_126 = arith.constant 1 : i32
      %parallel_loop3A_127 = arith.index_cast %parallel_loop3A_126 : i32 to index
      %parallel_loop3A_128 = arith.index_cast %parallel_loop3A_121 : i32 to index
      %parallel_loop3A_129 = tpu.vector_load %arg6[%parallel_loop3A_127, %parallel_loop3A_128] {strides = array<i32>} : memref<2x10496xi32, #tpu.memory_space<vmem>>, vector<16xi32>,
      %parallel_loop3A_130 = arith.constant 128 : i32
      %parallel_loop3A_131 = arith.muli %parallel_loop3A_117, %parallel_loop3A_130 : i32
      %parallel_loop3A_132 = arith.constant 16 : i32
      %parallel_loop3A_133 = arith.addi %parallel_loop3A_131, %parallel_loop3A_132 : i32
      %parallel_loop3A_134 = arith.constant 0 : i32
      %parallel_loop3A_135 = arith.index_cast %parallel_loop3A_134 : i32 to index
      %parallel_loop3A_136 = arith.index_cast %parallel_loop3A_133 : i32 to index
      %parallel_loop3A_137 = tpu.vector_load %arg6[%parallel_loop3A_135, %parallel_loop3A_136] {strides = array<i32>} : memref<2x10496xi32, #tpu.memory_space<vmem>>, vector<16xi32>,
      %parallel_loop3A_138 = arith.constant 1 : i32
      %parallel_loop3A_139 = arith.index_cast %parallel_loop3A_138 : i32 to index
      %parallel_loop3A_140 = arith.index_cast %parallel_loop3A_133 : i32 to index
      %parallel_loop3A_141 = tpu.vector_load %arg6[%parallel_loop3A_139, %parallel_loop3A_140] {strides = array<i32>} : memref<2x10496xi32, #tpu.memory_space<vmem>>, vector<16xi32>,
      %parallel_loop3A_142 = arith.constant 128 : i32
      %parallel_loop3A_143 = arith.muli %parallel_loop3A_117, %parallel_loop3A_142 : i32
      %parallel_loop3A_144 = arith.constant 32 : i32
      %parallel_loop3A_145 = arith.addi %parallel_loop3A_143, %parallel_loop3A_144 : i32
      %parallel_loop3A_146 = arith.constant 0 : i32
      %parallel_loop3A_147 = arith.index_cast %parallel_loop3A_146 : i32 to index
      %parallel_loop3A_148 = arith.index_cast %parallel_loop3A_145 : i32 to index
      %parallel_loop3A_149 = tpu.vector_load %arg6[%parallel_loop3A_147, %parallel_loop3A_148] {strides = array<i32>} : memref<2x10496xi32, #tpu.memory_space<vmem>>, vector<16xi32>,
      %parallel_loop3A_150 = arith.constant 1 : i32
      %parallel_loop3A_151 = arith.index_cast %parallel_loop3A_150 : i32 to index
      %parallel_loop3A_152 = arith.index_cast %parallel_loop3A_145 : i32 to index
      %parallel_loop3A_153 = tpu.vector_load %arg6[%parallel_loop3A_151, %parallel_loop3A_152] {strides = array<i32>} : memref<2x10496xi32, #tpu.memory_space<vmem>>, vector<16xi32>,
      %parallel_loop3A_154 = arith.constant 128 : i32
      %parallel_loop3A_155 = arith.muli %parallel_loop3A_117, %parallel_loop3A_154 : i32
      %parallel_loop3A_156 = arith.constant 48 : i32
      %parallel_loop3A_157 = arith.addi %parallel_loop3A_155, %parallel_loop3A_156 : i32
      %parallel_loop3A_158 = arith.constant 0 : i32
      %parallel_loop3A_159 = arith.index_cast %parallel_loop3A_158 : i32 to index
      %parallel_loop3A_160 = arith.index_cast %parallel_loop3A_157 : i32 to index
      %parallel_loop3A_161 = tpu.vector_load %arg6[%parallel_loop3A_159, %parallel_loop3A_160] {strides = array<i32>} : memref<2x10496xi32, #tpu.memory_space<vmem>>, vector<16xi32>,
      %parallel_loop3A_162 = arith.constant 1 : i32
      %parallel_loop3A_163 = arith.index_cast %parallel_loop3A_162 : i32 to index
      %parallel_loop3A_164 = arith.index_cast %parallel_loop3A_157 : i32 to index
      %parallel_loop3A_165 = tpu.vector_load %arg6[%parallel_loop3A_163, %parallel_loop3A_164] {strides = array<i32>} : memref<2x10496xi32, #tpu.memory_space<vmem>>, vector<16xi32>,
      %parallel_loop3A_166 = arith.constant 128 : i32
      %parallel_loop3A_167 = arith.muli %parallel_loop3A_117, %parallel_loop3A_166 : i32
      %parallel_loop3A_168 = arith.constant 64 : i32
      %parallel_loop3A_169 = arith.addi %parallel_loop3A_167, %parallel_loop3A_168 : i32
      %parallel_loop3A_170 = arith.constant 0 : i32
      %parallel_loop3A_171 = arith.index_cast %parallel_loop3A_170 : i32 to index
      %parallel_loop3A_172 = arith.index_cast %parallel_loop3A_169 : i32 to index
      %parallel_loop3A_173 = tpu.vector_load %arg6[%parallel_loop3A_171, %parallel_loop3A_172] {strides = array<i32>} : memref<2x10496xi32, #tpu.memory_space<vmem>>, vector<16xi32>,
      %parallel_loop3A_174 = arith.constant 1 : i32
      %parallel_loop3A_175 = arith.index_cast %parallel_loop3A_174 : i32 to index
      %parallel_loop3A_176 = arith.index_cast %parallel_loop3A_169 : i32 to index
      %parallel_loop3A_177 = tpu.vector_load %arg6[%parallel_loop3A_175, %parallel_loop3A_176] {strides = array<i32>} : memref<2x10496xi32, #tpu.memory_space<vmem>>, vector<16xi32>,
      %parallel_loop3A_178 = arith.constant 128 : i32
      %parallel_loop3A_179 = arith.muli %parallel_loop3A_117, %parallel_loop3A_178 : i32
      %parallel_loop3A_180 = arith.constant 80 : i32
      %parallel_loop3A_181 = arith.addi %parallel_loop3A_179, %parallel_loop3A_180 : i32
      %parallel_loop3A_182 = arith.constant 0 : i32
      %parallel_loop3A_183 = arith.index_cast %parallel_loop3A_182 : i32 to index
      %parallel_loop3A_184 = arith.index_cast %parallel_loop3A_181 : i32 to index
      %parallel_loop3A_185 = tpu.vector_load %arg6[%parallel_loop3A_183, %parallel_loop3A_184] {strides = array<i32>} : memref<2x10496xi32, #tpu.memory_space<vmem>>, vector<16xi32>,
      %parallel_loop3A_186 = arith.constant 1 : i32
      %parallel_loop3A_187 = arith.index_cast %parallel_loop3A_186 : i32 to index
      %parallel_loop3A_188 = arith.index_cast %parallel_loop3A_181 : i32 to index
      %parallel_loop3A_189 = tpu.vector_load %arg6[%parallel_loop3A_187, %parallel_loop3A_188] {strides = array<i32>} : memref<2x10496xi32, #tpu.memory_space<vmem>>, vector<16xi32>,
      %parallel_loop3A_190 = arith.constant 128 : i32
      %parallel_loop3A_191 = arith.muli %parallel_loop3A_117, %parallel_loop3A_190 : i32
      %parallel_loop3A_192 = arith.constant 96 : i32
      %parallel_loop3A_193 = arith.addi %parallel_loop3A_191, %parallel_loop3A_192 : i32
      %parallel_loop3A_194 = arith.constant 0 : i32
      %parallel_loop3A_195 = arith.index_cast %parallel_loop3A_194 : i32 to index
      %parallel_loop3A_196 = arith.index_cast %parallel_loop3A_193 : i32 to index
      %parallel_loop3A_197 = tpu.vector_load %arg6[%parallel_loop3A_195, %parallel_loop3A_196] {strides = array<i32>} : memref<2x10496xi32, #tpu.memory_space<vmem>>, vector<16xi32>,
      %parallel_loop3A_198 = arith.constant 1 : i32
      %parallel_loop3A_199 = arith.index_cast %parallel_loop3A_198 : i32 to index
      %parallel_loop3A_200 = arith.index_cast %parallel_loop3A_193 : i32 to index
      %parallel_loop3A_201 = tpu.vector_load %arg6[%parallel_loop3A_199, %parallel_loop3A_200] {strides = array<i32>} : memref<2x10496xi32, #tpu.memory_space<vmem>>, vector<16xi32>,
      %parallel_loop3A_202 = arith.constant 128 : i32
      %parallel_loop3A_203 = arith.muli %parallel_loop3A_117, %parallel_loop3A_202 : i32
      %parallel_loop3A_204 = arith.constant 112 : i32
      %parallel_loop3A_205 = arith.addi %parallel_loop3A_203, %parallel_loop3A_204 : i32
      %parallel_loop3A_206 = arith.constant 0 : i32
      %parallel_loop3A_207 = arith.index_cast %parallel_loop3A_206 : i32 to index
      %parallel_loop3A_208 = arith.index_cast %parallel_loop3A_205 : i32 to index
      %parallel_loop3A_209 = tpu.vector_load %arg6[%parallel_loop3A_207, %parallel_loop3A_208] {strides = array<i32>} : memref<2x10496xi32, #tpu.memory_space<vmem>>, vector<16xi32>,
      %parallel_loop3A_210 = arith.constant 1 : i32
      %parallel_loop3A_211 = arith.index_cast %parallel_loop3A_210 : i32 to index
      %parallel_loop3A_212 = arith.index_cast %parallel_loop3A_205 : i32 to index
      %parallel_loop3A_213 = tpu.vector_load %arg6[%parallel_loop3A_211, %parallel_loop3A_212] {strides = array<i32>} : memref<2x10496xi32, #tpu.memory_space<vmem>>, vector<16xi32>,
      %parallel_loop3A_214 = tpu.vector_load_idx %arg5[%parallel_loop3A_125] : memref<10000xf32, #tpu.memory_space<vmem>>[vector<16xi32>], vector<16xf32>,
      %parallel_loop3A_215 = tpu.vector_load_idx %arg5[%parallel_loop3A_129] : memref<10000xf32, #tpu.memory_space<vmem>>[vector<16xi32>], vector<16xf32>,
      %parallel_loop3A_216 = tpu.vector_load_idx %arg5[%parallel_loop3A_137] : memref<10000xf32, #tpu.memory_space<vmem>>[vector<16xi32>], vector<16xf32>,
      %parallel_loop3A_217 = tpu.vector_load_idx %arg5[%parallel_loop3A_141] : memref<10000xf32, #tpu.memory_space<vmem>>[vector<16xi32>], vector<16xf32>,
      %parallel_loop3A_218 = tpu.vector_load_idx %arg5[%parallel_loop3A_149] : memref<10000xf32, #tpu.memory_space<vmem>>[vector<16xi32>], vector<16xf32>,
      %parallel_loop3A_219 = tpu.vector_load_idx %arg5[%parallel_loop3A_153] : memref<10000xf32, #tpu.memory_space<vmem>>[vector<16xi32>], vector<16xf32>,
      %parallel_loop3A_220 = tpu.vector_load_idx %arg5[%parallel_loop3A_161] : memref<10000xf32, #tpu.memory_space<vmem>>[vector<16xi32>], vector<16xf32>,
      %parallel_loop3A_221 = tpu.vector_load_idx %arg5[%parallel_loop3A_165] : memref<10000xf32, #tpu.memory_space<vmem>>[vector<16xi32>], vector<16xf32>,
      %parallel_loop3A_222 = tpu.vector_load_idx %arg5[%parallel_loop3A_173] : memref<10000xf32, #tpu.memory_space<vmem>>[vector<16xi32>], vector<16xf32>,
      %parallel_loop3A_223 = tpu.vector_load_idx %arg5[%parallel_loop3A_177] : memref<10000xf32, #tpu.memory_space<vmem>>[vector<16xi32>], vector<16xf32>,
      %parallel_loop3A_224 = tpu.vector_load_idx %arg5[%parallel_loop3A_185] : memref<10000xf32, #tpu.memory_space<vmem>>[vector<16xi32>], vector<16xf32>,
      %parallel_loop3A_225 = tpu.vector_load_idx %arg5[%parallel_loop3A_189] : memref<10000xf32, #tpu.memory_space<vmem>>[vector<16xi32>], vector<16xf32>,
      %parallel_loop3A_226 = tpu.vector_load_idx %arg5[%parallel_loop3A_197] : memref<10000xf32, #tpu.memory_space<vmem>>[vector<16xi32>], vector<16xf32>,
      %parallel_loop3A_227 = tpu.vector_load_idx %arg5[%parallel_loop3A_201] : memref<10000xf32, #tpu.memory_space<vmem>>[vector<16xi32>], vector<16xf32>,
      %parallel_loop3A_228 = tpu.vector_load_idx %arg5[%parallel_loop3A_209] : memref<10000xf32, #tpu.memory_space<vmem>>[vector<16xi32>], vector<16xf32>,
      %parallel_loop3A_229 = tpu.vector_load_idx %arg5[%parallel_loop3A_213] : memref<10000xf32, #tpu.memory_space<vmem>>[vector<16xi32>], vector<16xf32>,
      %parallel_loop3A_230 = arith.mulf %parallel_loop3A_214, %parallel_loop3A_215 : vector<16xf32>
      %parallel_loop3A_231 = arith.constant 0 : i32
      %parallel_loop3A_232 = arith.index_cast %parallel_loop3A_117 : i32 to index
      %parallel_loop3A_233 = arith.index_cast %parallel_loop3A_231 : i32 to index
      %parallel_loop3A_234 = arith.constant 0 : index
      %parallel_loop3A_235 = tpu.vector_load %arg7[%parallel_loop3A_232, %parallel_loop3A_233, %parallel_loop3A_234] {strides = array<i32>} : memref<82x1x128xf32, #tpu.memory_space<vmem>>, vector<16xf32>,
      tpu.vector_store %arg7[%parallel_loop3A_232, %parallel_loop3A_233, %parallel_loop3A_234], %parallel_loop3A_230 {strides = array<i32>} : memref<82x1x128xf32, #tpu.memory_space<vmem>>, vector<16xf32>,
      %parallel_loop3A_236 = arith.mulf %parallel_loop3A_216, %parallel_loop3A_217 : vector<16xf32>
      %parallel_loop3A_237 = arith.constant 0 : i32
      %parallel_loop3A_238 = arith.index_cast %parallel_loop3A_117 : i32 to index
      %parallel_loop3A_239 = arith.index_cast %parallel_loop3A_237 : i32 to index
      %parallel_loop3A_240 = arith.constant 16 : index
      %parallel_loop3A_241 = tpu.vector_load %arg7[%parallel_loop3A_238, %parallel_loop3A_239, %parallel_loop3A_240] {strides = array<i32>} : memref<82x1x128xf32, #tpu.memory_space<vmem>>, vector<16xf32>,
      tpu.vector_store %arg7[%parallel_loop3A_238, %parallel_loop3A_239, %parallel_loop3A_240], %parallel_loop3A_236 {strides = array<i32>} : memref<82x1x128xf32, #tpu.memory_space<vmem>>, vector<16xf32>,
      %parallel_loop3A_242 = arith.mulf %parallel_loop3A_218, %parallel_loop3A_219 : vector<16xf32>
      %parallel_loop3A_243 = arith.constant 0 : i32
      %parallel_loop3A_244 = arith.index_cast %parallel_loop3A_117 : i32 to index
      %parallel_loop3A_245 = arith.index_cast %parallel_loop3A_243 : i32 to index
      %parallel_loop3A_246 = arith.constant 32 : index
      %parallel_loop3A_247 = tpu.vector_load %arg7[%parallel_loop3A_244, %parallel_loop3A_245, %parallel_loop3A_246] {strides = array<i32>} : memref<82x1x128xf32, #tpu.memory_space<vmem>>, vector<16xf32>,
      tpu.vector_store %arg7[%parallel_loop3A_244, %parallel_loop3A_245, %parallel_loop3A_246], %parallel_loop3A_242 {strides = array<i32>} : memref<82x1x128xf32, #tpu.memory_space<vmem>>, vector<16xf32>,
      %parallel_loop3A_248 = arith.mulf %parallel_loop3A_220, %parallel_loop3A_221 : vector<16xf32>
      %parallel_loop3A_249 = arith.constant 0 : i32
      %parallel_loop3A_250 = arith.index_cast %parallel_loop3A_117 : i32 to index
      %parallel_loop3A_251 = arith.index_cast %parallel_loop3A_249 : i32 to index
      %parallel_loop3A_252 = arith.constant 48 : index
      %parallel_loop3A_253 = tpu.vector_load %arg7[%parallel_loop3A_250, %parallel_loop3A_251, %parallel_loop3A_252] {strides = array<i32>} : memref<82x1x128xf32, #tpu.memory_space<vmem>>, vector<16xf32>,
      tpu.vector_store %arg7[%parallel_loop3A_250, %parallel_loop3A_251, %parallel_loop3A_252], %parallel_loop3A_248 {strides = array<i32>} : memref<82x1x128xf32, #tpu.memory_space<vmem>>, vector<16xf32>,
      %parallel_loop3A_254 = arith.mulf %parallel_loop3A_222, %parallel_loop3A_223 : vector<16xf32>
      %parallel_loop3A_255 = arith.constant 0 : i32
      %parallel_loop3A_256 = arith.index_cast %parallel_loop3A_117 : i32 to index
      %parallel_loop3A_257 = arith.index_cast %parallel_loop3A_255 : i32 to index
      %parallel_loop3A_258 = arith.constant 64 : index
      %parallel_loop3A_259 = tpu.vector_load %arg7[%parallel_loop3A_256, %parallel_loop3A_257, %parallel_loop3A_258] {strides = array<i32>} : memref<82x1x128xf32, #tpu.memory_space<vmem>>, vector<16xf32>,
      tpu.vector_store %arg7[%parallel_loop3A_256, %parallel_loop3A_257, %parallel_loop3A_258], %parallel_loop3A_254 {strides = array<i32>} : memref<82x1x128xf32, #tpu.memory_space<vmem>>, vector<16xf32>,
      %parallel_loop3A_260 = arith.mulf %parallel_loop3A_224, %parallel_loop3A_225 : vector<16xf32>
      %parallel_loop3A_261 = arith.constant 0 : i32
      %parallel_loop3A_262 = arith.index_cast %parallel_loop3A_117 : i32 to index
      %parallel_loop3A_263 = arith.index_cast %parallel_loop3A_261 : i32 to index
      %parallel_loop3A_264 = arith.constant 80 : index
      %parallel_loop3A_265 = tpu.vector_load %arg7[%parallel_loop3A_262, %parallel_loop3A_263, %parallel_loop3A_264] {strides = array<i32>} : memref<82x1x128xf32, #tpu.memory_space<vmem>>, vector<16xf32>,
      tpu.vector_store %arg7[%parallel_loop3A_262, %parallel_loop3A_263, %parallel_loop3A_264], %parallel_loop3A_260 {strides = array<i32>} : memref<82x1x128xf32, #tpu.memory_space<vmem>>, vector<16xf32>,
      %parallel_loop3A_266 = arith.mulf %parallel_loop3A_226, %parallel_loop3A_227 : vector<16xf32>
      %parallel_loop3A_267 = arith.constant 0 : i32
      %parallel_loop3A_268 = arith.index_cast %parallel_loop3A_117 : i32 to index
      %parallel_loop3A_269 = arith.index_cast %parallel_loop3A_267 : i32 to index
      %parallel_loop3A_270 = arith.constant 96 : index
      %parallel_loop3A_271 = tpu.vector_load %arg7[%parallel_loop3A_268, %parallel_loop3A_269, %parallel_loop3A_270] {strides = array<i32>} : memref<82x1x128xf32, #tpu.memory_space<vmem>>, vector<16xf32>,
      tpu.vector_store %arg7[%parallel_loop3A_268, %parallel_loop3A_269, %parallel_loop3A_270], %parallel_loop3A_266 {strides = array<i32>} : memref<82x1x128xf32, #tpu.memory_space<vmem>>, vector<16xf32>,
      %parallel_loop3A_272 = arith.mulf %parallel_loop3A_228, %parallel_loop3A_229 : vector<16xf32>
      %parallel_loop3A_273 = arith.constant 0 : i32
      %parallel_loop3A_274 = arith.index_cast %parallel_loop3A_117 : i32 to index
      %parallel_loop3A_275 = arith.index_cast %parallel_loop3A_273 : i32 to index
      %parallel_loop3A_276 = arith.constant 112 : index
      %parallel_loop3A_277 = tpu.vector_load %arg7[%parallel_loop3A_274, %parallel_loop3A_275, %parallel_loop3A_276] {strides = array<i32>} : memref<82x1x128xf32, #tpu.memory_space<vmem>>, vector<16xf32>,
      tpu.vector_store %arg7[%parallel_loop3A_274, %parallel_loop3A_275, %parallel_loop3A_276], %parallel_loop3A_272 {strides = array<i32>} : memref<82x1x128xf32, #tpu.memory_space<vmem>>, vector<16xf32>,
    } {sc.loop_unroll_factor = 1 : i64, sc.parallel_access}
    %add3A_70 = arith.constant 39 : i32
    %add3A_71 = arith.addi %mul3A_5, %add3A_70 : i32
    %dma_start3A_72 = arith.constant 39 : i32
    %dma_start3A_73 = arith.constant 0 : i32
    %dma_start3A_74 = arith.constant 0 : i32
    %dma_start3A_75 = tpu.memref_slice %arg7[%dma_start3A_72, %dma_start3A_73, %dma_start3A_74] : memref<82x1x128xf32, #tpu.memory_space<vmem>> -> memref<39x1x128xf32, #tpu.memory_space<vmem>>
    %dma_start3A_76 = arith.constant 0 : i32
    %dma_start3A_77 = arith.constant 0 : i32
    %dma_start3A_78 = tpu.memref_slice %arg4[%add3A_71, %dma_start3A_76, %dma_start3A_77] : memref<2500x1x128xf32, #tpu.memory_space<hbm>> -> memref<39x1x128xf32, #tpu.memory_space<hbm>>
    %dma_start3A_79 = arith.constant 0 : i32
    %dma_start3A_80 = arith.constant 0 : i32
    %dma_start3A_81 = tpu.memref_slice %arg4[%add3A_71, %dma_start3A_79, %dma_start3A_80] : memref<2500x1x128xf32, #tpu.memory_space<hbm>> -> memref<39x1x128xf32, #tpu.memory_space<hbm>>
    %dma_start3A_82 = arith.constant 39 : i32
    %dma_start3A_83 = arith.constant 0 : i32
    %dma_start3A_84 = arith.constant 0 : i32
    %dma_start3A_85 = tpu.memref_slice %arg7[%dma_start3A_82, %dma_start3A_83, %dma_start3A_84] : memref<82x1x128xf32, #tpu.memory_space<vmem>> -> memref<39x1x128xf32, #tpu.memory_space<vmem>>
    tpu.enqueue_dma source(%dma_start3A_85 : memref<39x1x128xf32, #tpu.memory_space<vmem>>) target(%dma_start3A_81 : memref<39x1x128xf32, #tpu.memory_space<hbm>>) target_semaphore(%arg10 : memref<!tpu.dma_semaphore, #tpu.memory_space<semaphore_mem>>)
    %convert_element_type3A_86 = arith.extui %eq3A_1 : i1 to i32
    %cond3A_87 = arith.constant 0 : i32
    %cond3A_88 = arith.cmpi ne, %convert_element_type3A_86, %cond3A_87 : i32
    scf.if %cond3A_88 {
      %dma_wait3A_117 = arith.constant 0 : i32
      %dma_wait3A_118 = arith.constant 9984 : i32
      %dma_wait3A_119 = tpu.memref_slice %arg6[%dma_wait3A_117, %dma_wait3A_118] : memref<2x10496xi32, #tpu.memory_space<vmem>> -> memref<2x512xi32, #tpu.memory_space<vmem>>
      %dma_wait3A_120 = arith.constant 0 : i32
      %dma_wait3A_121 = arith.constant 319488 : i32
      %dma_wait3A_122 = tpu.memref_slice %arg3[%dma_wait3A_120, %dma_wait3A_121] : memref<2x320000xi32, #tpu.memory_space<hbm>> -> memref<2x512xi32, #tpu.memory_space<hbm>>
      %dma_wait3A_123 = arith.constant 0 : i32
      %dma_wait3A_124 = arith.constant 9984 : i32
      %dma_wait3A_125 = tpu.memref_slice %arg6[%dma_wait3A_123, %dma_wait3A_124] : memref<2x10496xi32, #tpu.memory_space<vmem>> -> memref<2x512xi32, #tpu.memory_space<vmem>>
      %dma_wait3A_126 = arith.constant 0 : i32
      %dma_wait3A_127 = arith.constant 319488 : i32
      %dma_wait3A_128 = tpu.memref_slice %arg3[%dma_wait3A_126, %dma_wait3A_127] : memref<2x320000xi32, #tpu.memory_space<hbm>> -> memref<2x512xi32, #tpu.memory_space<hbm>>
      tpu.wait_dma2 semaphore(%arg9 : memref<!tpu.dma_semaphore, #tpu.memory_space<semaphore_mem>>) src(%dma_wait3A_128 : memref<2x512xi32, #tpu.memory_space<hbm>>) dst(%dma_wait3A_125 : memref<2x512xi32, #tpu.memory_space<vmem>>)
      %parallel_loop3A_129 = arith.constant 78 : i32
      %parallel_loop3A_130 = arith.constant 82 : i32
      %parallel_loop3A_131 = arith.constant 1 : i32
      scf.for %parallel_loop3A_132 = %parallel_loop3A_129 to %parallel_loop3A_130 step %parallel_loop3A_131  : i32 {
        %parallel_loop3A_133 = arith.constant 128 : i32
        %parallel_loop3A_134 = arith.muli %parallel_loop3A_132, %parallel_loop3A_133 : i32
        %parallel_loop3A_135 = arith.constant 0 : i32
        %parallel_loop3A_136 = arith.addi %parallel_loop3A_134, %parallel_loop3A_135 : i32
        %parallel_loop3A_137 = arith.constant 0 : i32
        %parallel_loop3A_138 = arith.index_cast %parallel_loop3A_137 : i32 to index
        %parallel_loop3A_139 = arith.index_cast %parallel_loop3A_136 : i32 to index
        %parallel_loop3A_140 = tpu.vector_load %arg6[%parallel_loop3A_138, %parallel_loop3A_139] {strides = array<i32>} : memref<2x10496xi32, #tpu.memory_space<vmem>>, vector<16xi32>,
        %parallel_loop3A_141 = arith.constant 1 : i32
        %parallel_loop3A_142 = arith.index_cast %parallel_loop3A_141 : i32 to index
        %parallel_loop3A_143 = arith.index_cast %parallel_loop3A_136 : i32 to index
        %parallel_loop3A_144 = tpu.vector_load %arg6[%parallel_loop3A_142, %parallel_loop3A_143] {strides = array<i32>} : memref<2x10496xi32, #tpu.memory_space<vmem>>, vector<16xi32>,
        %parallel_loop3A_145 = arith.constant 128 : i32
        %parallel_loop3A_146 = arith.muli %parallel_loop3A_132, %parallel_loop3A_145 : i32
        %parallel_loop3A_147 = arith.constant 16 : i32
        %parallel_loop3A_148 = arith.addi %parallel_loop3A_146, %parallel_loop3A_147 : i32
        %parallel_loop3A_149 = arith.constant 0 : i32
        %parallel_loop3A_150 = arith.index_cast %parallel_loop3A_149 : i32 to index
        %parallel_loop3A_151 = arith.index_cast %parallel_loop3A_148 : i32 to index
        %parallel_loop3A_152 = tpu.vector_load %arg6[%parallel_loop3A_150, %parallel_loop3A_151] {strides = array<i32>} : memref<2x10496xi32, #tpu.memory_space<vmem>>, vector<16xi32>,
        %parallel_loop3A_153 = arith.constant 1 : i32
        %parallel_loop3A_154 = arith.index_cast %parallel_loop3A_153 : i32 to index
        %parallel_loop3A_155 = arith.index_cast %parallel_loop3A_148 : i32 to index
        %parallel_loop3A_156 = tpu.vector_load %arg6[%parallel_loop3A_154, %parallel_loop3A_155] {strides = array<i32>} : memref<2x10496xi32, #tpu.memory_space<vmem>>, vector<16xi32>,
        %parallel_loop3A_157 = arith.constant 128 : i32
        %parallel_loop3A_158 = arith.muli %parallel_loop3A_132, %parallel_loop3A_157 : i32
        %parallel_loop3A_159 = arith.constant 32 : i32
        %parallel_loop3A_160 = arith.addi %parallel_loop3A_158, %parallel_loop3A_159 : i32
        %parallel_loop3A_161 = arith.constant 0 : i32
        %parallel_loop3A_162 = arith.index_cast %parallel_loop3A_161 : i32 to index
        %parallel_loop3A_163 = arith.index_cast %parallel_loop3A_160 : i32 to index
        %parallel_loop3A_164 = tpu.vector_load %arg6[%parallel_loop3A_162, %parallel_loop3A_163] {strides = array<i32>} : memref<2x10496xi32, #tpu.memory_space<vmem>>, vector<16xi32>,
        %parallel_loop3A_165 = arith.constant 1 : i32
        %parallel_loop3A_166 = arith.index_cast %parallel_loop3A_165 : i32 to index
        %parallel_loop3A_167 = arith.index_cast %parallel_loop3A_160 : i32 to index
        %parallel_loop3A_168 = tpu.vector_load %arg6[%parallel_loop3A_166, %parallel_loop3A_167] {strides = array<i32>} : memref<2x10496xi32, #tpu.memory_space<vmem>>, vector<16xi32>,
        %parallel_loop3A_169 = arith.constant 128 : i32
        %parallel_loop3A_170 = arith.muli %parallel_loop3A_132, %parallel_loop3A_169 : i32
        %parallel_loop3A_171 = arith.constant 48 : i32
        %parallel_loop3A_172 = arith.addi %parallel_loop3A_170, %parallel_loop3A_171 : i32
        %parallel_loop3A_173 = arith.constant 0 : i32
        %parallel_loop3A_174 = arith.index_cast %parallel_loop3A_173 : i32 to index
        %parallel_loop3A_175 = arith.index_cast %parallel_loop3A_172 : i32 to index
        %parallel_loop3A_176 = tpu.vector_load %arg6[%parallel_loop3A_174, %parallel_loop3A_175] {strides = array<i32>} : memref<2x10496xi32, #tpu.memory_space<vmem>>, vector<16xi32>,
        %parallel_loop3A_177 = arith.constant 1 : i32
        %parallel_loop3A_178 = arith.index_cast %parallel_loop3A_177 : i32 to index
        %parallel_loop3A_179 = arith.index_cast %parallel_loop3A_172 : i32 to index
        %parallel_loop3A_180 = tpu.vector_load %arg6[%parallel_loop3A_178, %parallel_loop3A_179] {strides = array<i32>} : memref<2x10496xi32, #tpu.memory_space<vmem>>, vector<16xi32>,
        %parallel_loop3A_181 = arith.constant 128 : i32
        %parallel_loop3A_182 = arith.muli %parallel_loop3A_132, %parallel_loop3A_181 : i32
        %parallel_loop3A_183 = arith.constant 64 : i32
        %parallel_loop3A_184 = arith.addi %parallel_loop3A_182, %parallel_loop3A_183 : i32
        %parallel_loop3A_185 = arith.constant 0 : i32
        %parallel_loop3A_186 = arith.index_cast %parallel_loop3A_185 : i32 to index
        %parallel_loop3A_187 = arith.index_cast %parallel_loop3A_184 : i32 to index
        %parallel_loop3A_188 = tpu.vector_load %arg6[%parallel_loop3A_186, %parallel_loop3A_187] {strides = array<i32>} : memref<2x10496xi32, #tpu.memory_space<vmem>>, vector<16xi32>,
        %parallel_loop3A_189 = arith.constant 1 : i32
        %parallel_loop3A_190 = arith.index_cast %parallel_loop3A_189 : i32 to index
        %parallel_loop3A_191 = arith.index_cast %parallel_loop3A_184 : i32 to index
        %parallel_loop3A_192 = tpu.vector_load %arg6[%parallel_loop3A_190, %parallel_loop3A_191] {strides = array<i32>} : memref<2x10496xi32, #tpu.memory_space<vmem>>, vector<16xi32>,
        %parallel_loop3A_193 = arith.constant 128 : i32
        %parallel_loop3A_194 = arith.muli %parallel_loop3A_132, %parallel_loop3A_193 : i32
        %parallel_loop3A_195 = arith.constant 80 : i32
        %parallel_loop3A_196 = arith.addi %parallel_loop3A_194, %parallel_loop3A_195 : i32
        %parallel_loop3A_197 = arith.constant 0 : i32
        %parallel_loop3A_198 = arith.index_cast %parallel_loop3A_197 : i32 to index
        %parallel_loop3A_199 = arith.index_cast %parallel_loop3A_196 : i32 to index
        %parallel_loop3A_200 = tpu.vector_load %arg6[%parallel_loop3A_198, %parallel_loop3A_199] {strides = array<i32>} : memref<2x10496xi32, #tpu.memory_space<vmem>>, vector<16xi32>,
        %parallel_loop3A_201 = arith.constant 1 : i32
        %parallel_loop3A_202 = arith.index_cast %parallel_loop3A_201 : i32 to index
        %parallel_loop3A_203 = arith.index_cast %parallel_loop3A_196 : i32 to index
        %parallel_loop3A_204 = tpu.vector_load %arg6[%parallel_loop3A_202, %parallel_loop3A_203] {strides = array<i32>} : memref<2x10496xi32, #tpu.memory_space<vmem>>, vector<16xi32>,
        %parallel_loop3A_205 = arith.constant 128 : i32
        %parallel_loop3A_206 = arith.muli %parallel_loop3A_132, %parallel_loop3A_205 : i32
        %parallel_loop3A_207 = arith.constant 96 : i32
        %parallel_loop3A_208 = arith.addi %parallel_loop3A_206, %parallel_loop3A_207 : i32
        %parallel_loop3A_209 = arith.constant 0 : i32
        %parallel_loop3A_210 = arith.index_cast %parallel_loop3A_209 : i32 to index
        %parallel_loop3A_211 = arith.index_cast %parallel_loop3A_208 : i32 to index
        %parallel_loop3A_212 = tpu.vector_load %arg6[%parallel_loop3A_210, %parallel_loop3A_211] {strides = array<i32>} : memref<2x10496xi32, #tpu.memory_space<vmem>>, vector<16xi32>,
        %parallel_loop3A_213 = arith.constant 1 : i32
        %parallel_loop3A_214 = arith.index_cast %parallel_loop3A_213 : i32 to index
        %parallel_loop3A_215 = arith.index_cast %parallel_loop3A_208 : i32 to index
        %parallel_loop3A_216 = tpu.vector_load %arg6[%parallel_loop3A_214, %parallel_loop3A_215] {strides = array<i32>} : memref<2x10496xi32, #tpu.memory_space<vmem>>, vector<16xi32>,
        %parallel_loop3A_217 = arith.constant 128 : i32
        %parallel_loop3A_218 = arith.muli %parallel_loop3A_132, %parallel_loop3A_217 : i32
        %parallel_loop3A_219 = arith.constant 112 : i32
        %parallel_loop3A_220 = arith.addi %parallel_loop3A_218, %parallel_loop3A_219 : i32
        %parallel_loop3A_221 = arith.constant 0 : i32
        %parallel_loop3A_222 = arith.index_cast %parallel_loop3A_221 : i32 to index
        %parallel_loop3A_223 = arith.index_cast %parallel_loop3A_220 : i32 to index
        %parallel_loop3A_224 = tpu.vector_load %arg6[%parallel_loop3A_222, %parallel_loop3A_223] {strides = array<i32>} : memref<2x10496xi32, #tpu.memory_space<vmem>>, vector<16xi32>,
        %parallel_loop3A_225 = arith.constant 1 : i32
        %parallel_loop3A_226 = arith.index_cast %parallel_loop3A_225 : i32 to index
        %parallel_loop3A_227 = arith.index_cast %parallel_loop3A_220 : i32 to index
        %parallel_loop3A_228 = tpu.vector_load %arg6[%parallel_loop3A_226, %parallel_loop3A_227] {strides = array<i32>} : memref<2x10496xi32, #tpu.memory_space<vmem>>, vector<16xi32>,
        %parallel_loop3A_229 = tpu.vector_load_idx %arg5[%parallel_loop3A_140] : memref<10000xf32, #tpu.memory_space<vmem>>[vector<16xi32>], vector<16xf32>,
        %parallel_loop3A_230 = tpu.vector_load_idx %arg5[%parallel_loop3A_144] : memref<10000xf32, #tpu.memory_space<vmem>>[vector<16xi32>], vector<16xf32>,
        %parallel_loop3A_231 = tpu.vector_load_idx %arg5[%parallel_loop3A_152] : memref<10000xf32, #tpu.memory_space<vmem>>[vector<16xi32>], vector<16xf32>,
        %parallel_loop3A_232 = tpu.vector_load_idx %arg5[%parallel_loop3A_156] : memref<10000xf32, #tpu.memory_space<vmem>>[vector<16xi32>], vector<16xf32>,
        %parallel_loop3A_233 = tpu.vector_load_idx %arg5[%parallel_loop3A_164] : memref<10000xf32, #tpu.memory_space<vmem>>[vector<16xi32>], vector<16xf32>,
        %parallel_loop3A_234 = tpu.vector_load_idx %arg5[%parallel_loop3A_168] : memref<10000xf32, #tpu.memory_space<vmem>>[vector<16xi32>], vector<16xf32>,
        %parallel_loop3A_235 = tpu.vector_load_idx %arg5[%parallel_loop3A_176] : memref<10000xf32, #tpu.memory_space<vmem>>[vector<16xi32>], vector<16xf32>,
        %parallel_loop3A_236 = tpu.vector_load_idx %arg5[%parallel_loop3A_180] : memref<10000xf32, #tpu.memory_space<vmem>>[vector<16xi32>], vector<16xf32>,
        %parallel_loop3A_237 = tpu.vector_load_idx %arg5[%parallel_loop3A_188] : memref<10000xf32, #tpu.memory_space<vmem>>[vector<16xi32>], vector<16xf32>,
        %parallel_loop3A_238 = tpu.vector_load_idx %arg5[%parallel_loop3A_192] : memref<10000xf32, #tpu.memory_space<vmem>>[vector<16xi32>], vector<16xf32>,
        %parallel_loop3A_239 = tpu.vector_load_idx %arg5[%parallel_loop3A_200] : memref<10000xf32, #tpu.memory_space<vmem>>[vector<16xi32>], vector<16xf32>,
        %parallel_loop3A_240 = tpu.vector_load_idx %arg5[%parallel_loop3A_204] : memref<10000xf32, #tpu.memory_space<vmem>>[vector<16xi32>], vector<16xf32>,
        %parallel_loop3A_241 = tpu.vector_load_idx %arg5[%parallel_loop3A_212] : memref<10000xf32, #tpu.memory_space<vmem>>[vector<16xi32>], vector<16xf32>,
        %parallel_loop3A_242 = tpu.vector_load_idx %arg5[%parallel_loop3A_216] : memref<10000xf32, #tpu.memory_space<vmem>>[vector<16xi32>], vector<16xf32>,
        %parallel_loop3A_243 = tpu.vector_load_idx %arg5[%parallel_loop3A_224] : memref<10000xf32, #tpu.memory_space<vmem>>[vector<16xi32>], vector<16xf32>,
        %parallel_loop3A_244 = tpu.vector_load_idx %arg5[%parallel_loop3A_228] : memref<10000xf32, #tpu.memory_space<vmem>>[vector<16xi32>], vector<16xf32>,
        %parallel_loop3A_245 = arith.mulf %parallel_loop3A_229, %parallel_loop3A_230 : vector<16xf32>
        %parallel_loop3A_246 = arith.constant 0 : i32
        %parallel_loop3A_247 = arith.index_cast %parallel_loop3A_132 : i32 to index
        %parallel_loop3A_248 = arith.index_cast %parallel_loop3A_246 : i32 to index
        %parallel_loop3A_249 = arith.constant 0 : index
        %parallel_loop3A_250 = tpu.vector_load %arg7[%parallel_loop3A_247, %parallel_loop3A_248, %parallel_loop3A_249] {strides = array<i32>} : memref<82x1x128xf32, #tpu.memory_space<vmem>>, vector<16xf32>,
        tpu.vector_store %arg7[%parallel_loop3A_247, %parallel_loop3A_248, %parallel_loop3A_249], %parallel_loop3A_245 {strides = array<i32>} : memref<82x1x128xf32, #tpu.memory_space<vmem>>, vector<16xf32>,
        %parallel_loop3A_251 = arith.mulf %parallel_loop3A_231, %parallel_loop3A_232 : vector<16xf32>
        %parallel_loop3A_252 = arith.constant 0 : i32
        %parallel_loop3A_253 = arith.index_cast %parallel_loop3A_132 : i32 to index
        %parallel_loop3A_254 = arith.index_cast %parallel_loop3A_252 : i32 to index
        %parallel_loop3A_255 = arith.constant 16 : index
        %parallel_loop3A_256 = tpu.vector_load %arg7[%parallel_loop3A_253, %parallel_loop3A_254, %parallel_loop3A_255] {strides = array<i32>} : memref<82x1x128xf32, #tpu.memory_space<vmem>>, vector<16xf32>,
        tpu.vector_store %arg7[%parallel_loop3A_253, %parallel_loop3A_254, %parallel_loop3A_255], %parallel_loop3A_251 {strides = array<i32>} : memref<82x1x128xf32, #tpu.memory_space<vmem>>, vector<16xf32>,
        %parallel_loop3A_257 = arith.mulf %parallel_loop3A_233, %parallel_loop3A_234 : vector<16xf32>
        %parallel_loop3A_258 = arith.constant 0 : i32
        %parallel_loop3A_259 = arith.index_cast %parallel_loop3A_132 : i32 to index
        %parallel_loop3A_260 = arith.index_cast %parallel_loop3A_258 : i32 to index
        %parallel_loop3A_261 = arith.constant 32 : index
        %parallel_loop3A_262 = tpu.vector_load %arg7[%parallel_loop3A_259, %parallel_loop3A_260, %parallel_loop3A_261] {strides = array<i32>} : memref<82x1x128xf32, #tpu.memory_space<vmem>>, vector<16xf32>,
        tpu.vector_store %arg7[%parallel_loop3A_259, %parallel_loop3A_260, %parallel_loop3A_261], %parallel_loop3A_257 {strides = array<i32>} : memref<82x1x128xf32, #tpu.memory_space<vmem>>, vector<16xf32>,
        %parallel_loop3A_263 = arith.mulf %parallel_loop3A_235, %parallel_loop3A_236 : vector<16xf32>
        %parallel_loop3A_264 = arith.constant 0 : i32
        %parallel_loop3A_265 = arith.index_cast %parallel_loop3A_132 : i32 to index
        %parallel_loop3A_266 = arith.index_cast %parallel_loop3A_264 : i32 to index
        %parallel_loop3A_267 = arith.constant 48 : index
        %parallel_loop3A_268 = tpu.vector_load %arg7[%parallel_loop3A_265, %parallel_loop3A_266, %parallel_loop3A_267] {strides = array<i32>} : memref<82x1x128xf32, #tpu.memory_space<vmem>>, vector<16xf32>,
        tpu.vector_store %arg7[%parallel_loop3A_265, %parallel_loop3A_266, %parallel_loop3A_267], %parallel_loop3A_263 {strides = array<i32>} : memref<82x1x128xf32, #tpu.memory_space<vmem>>, vector<16xf32>,
        %parallel_loop3A_269 = arith.mulf %parallel_loop3A_237, %parallel_loop3A_238 : vector<16xf32>
        %parallel_loop3A_270 = arith.constant 0 : i32
        %parallel_loop3A_271 = arith.index_cast %parallel_loop3A_132 : i32 to index
        %parallel_loop3A_272 = arith.index_cast %parallel_loop3A_270 : i32 to index
        %parallel_loop3A_273 = arith.constant 64 : index
        %parallel_loop3A_274 = tpu.vector_load %arg7[%parallel_loop3A_271, %parallel_loop3A_272, %parallel_loop3A_273] {strides = array<i32>} : memref<82x1x128xf32, #tpu.memory_space<vmem>>, vector<16xf32>,
        tpu.vector_store %arg7[%parallel_loop3A_271, %parallel_loop3A_272, %parallel_loop3A_273], %parallel_loop3A_269 {strides = array<i32>} : memref<82x1x128xf32, #tpu.memory_space<vmem>>, vector<16xf32>,
        %parallel_loop3A_275 = arith.mulf %parallel_loop3A_239, %parallel_loop3A_240 : vector<16xf32>
        %parallel_loop3A_276 = arith.constant 0 : i32
        %parallel_loop3A_277 = arith.index_cast %parallel_loop3A_132 : i32 to index
        %parallel_loop3A_278 = arith.index_cast %parallel_loop3A_276 : i32 to index
        %parallel_loop3A_279 = arith.constant 80 : index
        %parallel_loop3A_280 = tpu.vector_load %arg7[%parallel_loop3A_277, %parallel_loop3A_278, %parallel_loop3A_279] {strides = array<i32>} : memref<82x1x128xf32, #tpu.memory_space<vmem>>, vector<16xf32>,
        tpu.vector_store %arg7[%parallel_loop3A_277, %parallel_loop3A_278, %parallel_loop3A_279], %parallel_loop3A_275 {strides = array<i32>} : memref<82x1x128xf32, #tpu.memory_space<vmem>>, vector<16xf32>,
        %parallel_loop3A_281 = arith.mulf %parallel_loop3A_241, %parallel_loop3A_242 : vector<16xf32>
        %parallel_loop3A_282 = arith.constant 0 : i32
        %parallel_loop3A_283 = arith.index_cast %parallel_loop3A_132 : i32 to index
        %parallel_loop3A_284 = arith.index_cast %parallel_loop3A_282 : i32 to index
        %parallel_loop3A_285 = arith.constant 96 : index
        %parallel_loop3A_286 = tpu.vector_load %arg7[%parallel_loop3A_283, %parallel_loop3A_284, %parallel_loop3A_285] {strides = array<i32>} : memref<82x1x128xf32, #tpu.memory_space<vmem>>, vector<16xf32>,
        tpu.vector_store %arg7[%parallel_loop3A_283, %parallel_loop3A_284, %parallel_loop3A_285], %parallel_loop3A_281 {strides = array<i32>} : memref<82x1x128xf32, #tpu.memory_space<vmem>>, vector<16xf32>,
        %parallel_loop3A_287 = arith.mulf %parallel_loop3A_243, %parallel_loop3A_244 : vector<16xf32>
        %parallel_loop3A_288 = arith.constant 0 : i32
        %parallel_loop3A_289 = arith.index_cast %parallel_loop3A_132 : i32 to index
        %parallel_loop3A_290 = arith.index_cast %parallel_loop3A_288 : i32 to index
        %parallel_loop3A_291 = arith.constant 112 : index
        %parallel_loop3A_292 = tpu.vector_load %arg7[%parallel_loop3A_289, %parallel_loop3A_290, %parallel_loop3A_291] {strides = array<i32>} : memref<82x1x128xf32, #tpu.memory_space<vmem>>, vector<16xf32>,
        tpu.vector_store %arg7[%parallel_loop3A_289, %parallel_loop3A_290, %parallel_loop3A_291], %parallel_loop3A_287 {strides = array<i32>} : memref<82x1x128xf32, #tpu.memory_space<vmem>>, vector<16xf32>,
      } {sc.loop_unroll_factor = 1 : i64, sc.parallel_access}
      "tpu.region"() ({
        %run_scoped3A = tpu.sem_alloc : memref<!tpu.dma_semaphore, #tpu.memory_space<semaphore_mem>>
        %dma_start3A_132 = arith.constant 78 : i32
        %dma_start3A_133 = arith.constant 0 : i32
        %dma_start3A_134 = arith.constant 0 : i32
        %dma_start3A_135 = tpu.memref_slice %arg7[%dma_start3A_132, %dma_start3A_133, %dma_start3A_134] : memref<82x1x128xf32, #tpu.memory_space<vmem>> -> memref<4x1x128xf32, #tpu.memory_space<vmem>>
        %dma_start3A_136 = arith.constant 2496 : i32
        %dma_start3A_137 = arith.constant 0 : i32
        %dma_start3A_138 = arith.constant 0 : i32
        %dma_start3A_139 = tpu.memref_slice %arg4[%dma_start3A_136, %dma_start3A_137, %dma_start3A_138] : memref<2500x1x128xf32, #tpu.memory_space<hbm>> -> memref<4x1x128xf32, #tpu.memory_space<hbm>>
        %dma_start3A_140 = arith.constant 2496 : i32
        %dma_start3A_141 = arith.constant 0 : i32
        %dma_start3A_142 = arith.constant 0 : i32
        %dma_start3A_143 = tpu.memref_slice %arg4[%dma_start3A_140, %dma_start3A_141, %dma_start3A_142] : memref<2500x1x128xf32, #tpu.memory_space<hbm>> -> memref<4x1x128xf32, #tpu.memory_space<hbm>>
        %dma_start3A_144 = arith.constant 78 : i32
        %dma_start3A_145 = arith.constant 0 : i32
        %dma_start3A_146 = arith.constant 0 : i32
        %dma_start3A_147 = tpu.memref_slice %arg7[%dma_start3A_144, %dma_start3A_145, %dma_start3A_146] : memref<82x1x128xf32, #tpu.memory_space<vmem>> -> memref<4x1x128xf32, #tpu.memory_space<vmem>>
        tpu.enqueue_dma source(%dma_start3A_147 : memref<4x1x128xf32, #tpu.memory_space<vmem>>) target(%dma_start3A_143 : memref<4x1x128xf32, #tpu.memory_space<hbm>>) target_semaphore(%run_scoped3A : memref<!tpu.dma_semaphore, #tpu.memory_space<semaphore_mem>>)
        %dma_wait3A_148 = arith.constant 78 : i32
        %dma_wait3A_149 = arith.constant 0 : i32
        %dma_wait3A_150 = arith.constant 0 : i32
        %dma_wait3A_151 = tpu.memref_slice %arg7[%dma_wait3A_148, %dma_wait3A_149, %dma_wait3A_150] : memref<82x1x128xf32, #tpu.memory_space<vmem>> -> memref<4x1x128xf32, #tpu.memory_space<vmem>>
        %dma_wait3A_152 = arith.constant 2496 : i32
        %dma_wait3A_153 = arith.constant 0 : i32
        %dma_wait3A_154 = arith.constant 0 : i32
        %dma_wait3A_155 = tpu.memref_slice %arg4[%dma_wait3A_152, %dma_wait3A_153, %dma_wait3A_154] : memref<2500x1x128xf32, #tpu.memory_space<hbm>> -> memref<4x1x128xf32, #tpu.memory_space<hbm>>
        %dma_wait3A_156 = arith.constant 2496 : i32
        %dma_wait3A_157 = arith.constant 0 : i32
        %dma_wait3A_158 = arith.constant 0 : i32
        %dma_wait3A_159 = tpu.memref_slice %arg4[%dma_wait3A_156, %dma_wait3A_157, %dma_wait3A_158] : memref<2500x1x128xf32, #tpu.memory_space<hbm>> -> memref<4x1x128xf32, #tpu.memory_space<hbm>>
        %dma_wait3A_160 = arith.constant 78 : i32
        %dma_wait3A_161 = arith.constant 0 : i32
        %dma_wait3A_162 = arith.constant 0 : i32
        %dma_wait3A_163 = tpu.memref_slice %arg7[%dma_wait3A_160, %dma_wait3A_161, %dma_wait3A_162] : memref<82x1x128xf32, #tpu.memory_space<vmem>> -> memref<4x1x128xf32, #tpu.memory_space<vmem>>
        tpu.wait_dma2 semaphore(%run_scoped3A : memref<!tpu.dma_semaphore, #tpu.memory_space<semaphore_mem>>) src(%dma_wait3A_163 : memref<4x1x128xf32, #tpu.memory_space<vmem>>) dst(%dma_wait3A_159 : memref<4x1x128xf32, #tpu.memory_space<hbm>>)
        tpu.yield
      }) : () -> ()
    } else {
    }
    %dma_wait3A_89 = arith.constant 0 : i32
    %dma_wait3A_90 = arith.constant 0 : i32
    %dma_wait3A_91 = arith.constant 0 : i32
    %dma_wait3A_92 = tpu.memref_slice %arg7[%dma_wait3A_89, %dma_wait3A_90, %dma_wait3A_91] : memref<82x1x128xf32, #tpu.memory_space<vmem>> -> memref<39x1x128xf32, #tpu.memory_space<vmem>>
    %dma_wait3A_93 = arith.constant 0 : i32
    %dma_wait3A_94 = arith.constant 0 : i32
    %dma_wait3A_95 = tpu.memref_slice %arg4[%add3A_42, %dma_wait3A_93, %dma_wait3A_94] : memref<2500x1x128xf32, #tpu.memory_space<hbm>> -> memref<39x1x128xf32, #tpu.memory_space<hbm>>
    %dma_wait3A_96 = arith.constant 0 : i32
    %dma_wait3A_97 = arith.constant 0 : i32
    %dma_wait3A_98 = tpu.memref_slice %arg4[%add3A_42, %dma_wait3A_96, %dma_wait3A_97] : memref<2500x1x128xf32, #tpu.memory_space<hbm>> -> memref<39x1x128xf32, #tpu.memory_space<hbm>>
    %dma_wait3A_99 = arith.constant 0 : i32
    %dma_wait3A_100 = arith.constant 0 : i32
    %dma_wait3A_101 = arith.constant 0 : i32
    %dma_wait3A_102 = tpu.memref_slice %arg7[%dma_wait3A_99, %dma_wait3A_100, %dma_wait3A_101] : memref<82x1x128xf32, #tpu.memory_space<vmem>> -> memref<39x1x128xf32, #tpu.memory_space<vmem>>
    tpu.wait_dma2 semaphore(%arg10 : memref<!tpu.dma_semaphore, #tpu.memory_space<semaphore_mem>>) src(%dma_wait3A_102 : memref<39x1x128xf32, #tpu.memory_space<vmem>>) dst(%dma_wait3A_98 : memref<39x1x128xf32, #tpu.memory_space<hbm>>)
    %dma_wait3A_103 = arith.constant 39 : i32
    %dma_wait3A_104 = arith.constant 0 : i32
    %dma_wait3A_105 = arith.constant 0 : i32
    %dma_wait3A_106 = tpu.memref_slice %arg7[%dma_wait3A_103, %dma_wait3A_104, %dma_wait3A_105] : memref<82x1x128xf32, #tpu.memory_space<vmem>> -> memref<39x1x128xf32, #tpu.memory_space<vmem>>
    %dma_wait3A_107 = arith.constant 0 : i32
    %dma_wait3A_108 = arith.constant 0 : i32
    %dma_wait3A_109 = tpu.memref_slice %arg4[%add3A_71, %dma_wait3A_107, %dma_wait3A_108] : memref<2500x1x128xf32, #tpu.memory_space<hbm>> -> memref<39x1x128xf32, #tpu.memory_space<hbm>>
    %dma_wait3A_110 = arith.constant 0 : i32
    %dma_wait3A_111 = arith.constant 0 : i32
    %dma_wait3A_112 = tpu.memref_slice %arg4[%add3A_71, %dma_wait3A_110, %dma_wait3A_111] : memref<2500x1x128xf32, #tpu.memory_space<hbm>> -> memref<39x1x128xf32, #tpu.memory_space<hbm>>
    %dma_wait3A_113 = arith.constant 39 : i32
    %dma_wait3A_114 = arith.constant 0 : i32
    %dma_wait3A_115 = arith.constant 0 : i32
    %dma_wait3A_116 = tpu.memref_slice %arg7[%dma_wait3A_113, %dma_wait3A_114, %dma_wait3A_115] : memref<82x1x128xf32, #tpu.memory_space<vmem>> -> memref<39x1x128xf32, #tpu.memory_space<vmem>>
    tpu.wait_dma2 semaphore(%arg10 : memref<!tpu.dma_semaphore, #tpu.memory_space<semaphore_mem>>) src(%dma_wait3A_116 : memref<39x1x128xf32, #tpu.memory_space<vmem>>) dst(%dma_wait3A_112 : memref<39x1x128xf32, #tpu.memory_space<hbm>>)
    return
  }
}

module attributes {stable_mosaic.version = 14 : i64} {
  func.func @_scores_body(%arg0: memref<10000x128xf32, #tpu.memory_space<vmem>>, %arg1: memref<1x128xf32, #tpu.memory_space<vmem>>, %arg2: memref<1xf32, #tpu.memory_space<smem>>, %arg3: memref<10000xf32, #tpu.memory_space<vmem>>) attributes {dimension_semantics = [], scalar_prefetch = 0 : i64, scratch_operands = 0 : i64, tpu.core_type = #tpu.core_type<tc>} {
    %get3A = arith.constant 0 : index
    %get3A_0 = arith.constant 0 : index
    %get3A_1 = vector.load %arg1[%get3A, %get3A_0] : memref<1x128xf32, #tpu.memory_space<vmem>>, vector<1x128xf32>
    %get3A_2 = arith.constant 0 : index
    %get3A_3 = arith.constant 0 : index
    %get3A_4 = vector.load %arg0[%get3A_2, %get3A_3] : memref<10000x128xf32, #tpu.memory_space<vmem>>, vector<10000x128xf32>
    %dot_general3A = arith.constant dense<0.000000e+00> : vector<1x10000xf32>
    %dot_general3A_5 = tpu.matmul %get3A_1, %get3A_4, %dot_general3A {dimension_numbers = #tpu.dot_dimension_numbers<[1], [1], [0], [0], [0, 0, 1, 0], [], []>, transpose_lhs_hint = false} : vector<1x128xf32>, vector<10000x128xf32>, vector<1x10000xf32> -> vector<1x10000xf32>
    %squeeze3A = vector.shape_cast %dot_general3A_5 : vector<1x10000xf32> to vector<10000xf32>
    %get3A_6 = arith.constant 0 : index
    %get3A_7 = memref.load %arg2[%get3A_6] : memref<1xf32, #tpu.memory_space<smem>>
    %add3A = vector.broadcast %get3A_7 : f32 to vector<10000xf32>
    %add3A_8 = arith.addf %squeeze3A, %add3A : vector<10000xf32>
    %logistic3A = arith.negf %add3A_8 : vector<10000xf32>
    %logistic3A_9 = math.exp %logistic3A : vector<10000xf32>
    %logistic3A_10 = arith.constant 1.000000e+00 : f32
    %logistic3A_11 = vector.broadcast %logistic3A_10 : f32 to vector<10000xf32>
    %logistic3A_12 = arith.addf %logistic3A_11, %logistic3A_9 : vector<10000xf32>
    %logistic3A_13 = arith.divf %logistic3A_11, %logistic3A_12 : vector<10000xf32>
    %swap3A = arith.constant 0 : index
    %swap3A_14 = vector.load %arg3[%swap3A] : memref<10000xf32, #tpu.memory_space<vmem>>, vector<10000xf32>
    tpu.vector_store %arg3[%swap3A], %logistic3A_13 {strides = array<i32>} : memref<10000xf32, #tpu.memory_space<vmem>>, vector<10000xf32>,
    return
  }
}

</mosaic_0001>

<sc_bundles>
// kernel: kernel.4.cloned.1.call-start
scs
__scs_entry_jumppad:
0x0: {  	(pc) =	sbr.rel $0x88, $3  }
0x1: {  	(tag) =	ssettag $0x0;
	lr =	simm.s32 $0x1  }
0x2: {  	[smem:$0x3F9D] =	sst lr;
	_ =	strace $0xD0000000  }
0x3: {  	_ = 	snop  }
0x4: {  	_ = 	snop  }
0x5: {  	_ = 	snop  }
0x6: {  	_ = 	snop  }
0x7: {  	_ = 	snop  }
__scs_overlays_trampoline_lowered:
0x8: {  	[smem:$0x3FAC] =	sst s0  }
0x9: {  	[smem:$0x3FAD] =	sst s1  }
0xa: {  	[smem:$0x3FAE] =	sst s2  }
0xb: {  	[smem:$0x3FAF] =	sst s3  }
0xc: {  	[smem:$0x3FB0] =	sst s4  }
0xd: {  	[smem:$0x3FB1] =	sst s5  }
0xe: {  	[smem:$0x3FB2] =	sst s6  }
0xf: {  	[smem:$0x3FB3] =	sst s7  }
0x10: {  	[smem:$0x3FB4] =	sst s8  }
0x11: {  	[smem:$0x3FB5] =	sst s9;
	s0 =	simm.s32 @!p0 $0x0  }
0x12: {  	s1 =	sld [smem:$0x3F9B];
	s0 =	simm.s32 @p0 $0x1  }
0x13: {  	[smem:$0x3FB6] =	sst s0;
	s0 =	simm.s32 @!p1 $0x0  }
0x14: {  	s2 =	sld [smem:$0x3F9A];
	s0 =	simm.s32 @p1 $0x1  }
0x15: {  	[smem:$0x3FB7] =	sst s0;
	s0 =	simm.s32 @!p2 $0x0  }
0x16: {  	s3 =	sld [smem:$0x3FDB];
	s0 =	simm.s32 @p2 $0x1  }
0x17: {  	s4 =	simm.s32 $0x1BF5;
	[smem:$0x3FB9] =	sst s0  }
0x18: {  	s0 =	sld [smem:$0x3F9C];
	_ =	swait.ge [sflag:s4], $0x0  }
0x19: {  	s7 =	sld [smem:$0x3F9D]  }
0x1a: {  	s8 =	sadd.s32 $0xFFFFE003, lr  }
0x1b: {  	s9 =	sadd.s32 $0xFFFFFEF7, lr;
	s5 =	simm.s32 $0xFFFFFFFF;
	p2 =	slt.u32 s8, $0xFFFFF086  }
0x1c: {  	p1 =	slt.u32 s9, $0xF7A;
	s5 =	simm.s32 @!p2 $0x0  }
0x1d: {  	s5 =	simm.s32 @p1 $0x1;
	p0 =	seq.s32 s7, s2  }
0x1e: {  	s7 =	smul.u32 @!p0 $0xF7A, s2;
	p2 =	seq.s32 @!p0 s5, $0x0  }
0x1f: {  	s9 =	smul.u32 $0xF7A, s1;
	s8 =	simm.s32 @!p0 $0x1BF5;
	p2 =	por !p2, p0  }
0x20: {  	[sflag:s8] =	ssyncset.s32 @!p0 $0xFFFFF086;
	s6 =	sadd.s32 @!p0 s3, s7;
	s7 =	simm.s32 @!p0 $0x108  }
0x21: {  	s3 =	sadd.s32 s3, s9;
	s6 =	sadd.s32 @!p0 $0x88, s6;
	s7 =	simm.s32 @p2 $0x1082  }
0x22: {  	[simem:s7], [sflag:s8] =	dma.local @!p0 [hbm:s6], $0xF7A  }
0x23: {  	s9 =	sor.u32 $0xD0000000, s2;
	s6 =	simm.s32 $0x108;
	_ =	swait.ge @!p0 [sflag:s8], $0x0  }
0x24: {  	s3 =	sadd.s32 $0x88, s3;
	s6 =	simm.s32 @!p1 $0x1082;
	[sflag:s4] =	ssyncset.s32 $0xFFFFF086  }
0x25: {  	[simem:s6], [sflag:s4] =	dma.local [hbm:s3], $0xF7A  }
0x26: {  	[smem:$0x3F9D] =	sst s1;
	(tag) =	ssettag s2;
	_ =	strace s9  }
0x27: {  	s1 =	sld [smem:$0x3FAD]  }
0x28: {  	s2 =	sld [smem:$0x3FAE]  }
0x29: {  	s4 =	sld [smem:$0x3FB0]  }
0x2a: {  	p0 =	seq.s32 s5, $0x0;
	s5 =	sld [smem:$0x3FB1]  }
0x2b: {  	s6 =	sld [smem:$0x3FB2]  }
0x2c: {  	s7 =	sld [smem:$0x3FB3]  }
0x2d: {  	s3 =	simm.s32 $0x108;
	s8 =	sld [smem:$0x3FB4]  }
0x2e: {  	s3 =	simm.s32 @!p0 $0x1082;
	s9 =	sld [smem:$0x3FB5]  }
0x2f: {  	lr =	sadd.s32 s0, s3;
	s0 =	sld [smem:$0x3FAC]  }
0x30: {  	s3 =	sld [smem:$0x3FAF]  }
0x31: {  	[smem:$0x3FB8] =	sst s10  }
0x32: {  	s10 =	sld [smem:$0x3FB6];
	_ =	sdelay $0x3  }
0x33: {  	p0 =	seq.s32 s10, $0x1;
	s10 =	sld [smem:$0x3FB8];
	_ =	sdelay $0x3  }
0x34: {  	[smem:$0x3FB8] =	sst s10  }
0x35: {  	s10 =	sld [smem:$0x3FB7];
	_ =	sdelay $0x3  }
0x36: {  	p1 =	seq.s32 s10, $0x1;
	s10 =	sld [smem:$0x3FB8];
	_ =	sdelay $0x3  }
0x37: {  	[smem:$0x3FB8] =	sst s10  }
0x38: {  	s10 =	sld [smem:$0x3FB9]  }
0x39: {  	_ = 	snop;
	(pc) =	sbr.ind lr, $3  }
0x3a: {  	_ = 	snop  }
0x3b: {  	_ = 	snop  }
0x3c: {  	p2 =	seq.s32 s10, $0x1;
	s10 =	sld [smem:$0x3FB8]  }
0x3d: {  	_ =	shalt  }
0x3e: {  	_ =	shalt  }
0x3f: {  	_ =	shalt  }
0x40: {  	_ =	shalt  }
0x41: {  	_ =	shalt  }
0x42: {  	_ =	shalt  }
0x43: {  	_ =	shalt  }
0x44: {  	_ =	shalt  }
0x45: {  	_ =	shalt  }
0x46: {  	_ =	shalt  }
0x47: {  	_ =	shalt  }
0x48: {  	_ =	shalt  }
0x49: {  	_ =	shalt  }
0x4a: {  	_ =	shalt  }
0x4b: {  	_ =	shalt  }
0x4c: {  	_ =	shalt  }
0x4d: {  	_ =	shalt  }
0x4e: {  	_ =	shalt  }
0x4f: {  	_ =	shalt  }
0x50: {  	_ =	shalt  }
0x51: {  	_ =	shalt  }
0x52: {  	_ =	shalt  }
0x53: {  	_ =	shalt  }
0x54: {  	_ =	shalt  }
0x55: {  	_ =	shalt  }
0x56: {  	_ =	shalt  }
0x57: {  	_ =	shalt  }
0x58: {  	_ =	shalt  }
0x59: {  	_ =	shalt  }
0x5a: {  	_ =	shalt  }
0x5b: {  	_ =	shalt  }
0x5c: {  	_ =	shalt  }
0x5d: {  	_ =	shalt  }
0x5e: {  	_ =	shalt  }
0x5f: {  	_ =	shalt  }
0x60: {  	_ =	shalt  }
0x61: {  	_ =	shalt  }
0x62: {  	_ =	shalt  }
0x63: {  	_ =	shalt  }
0x64: {  	_ =	shalt  }
0x65: {  	_ =	shalt  }
0x66: {  	_ =	shalt  }
0x67: {  	_ =	shalt  }
0x68: {  	_ =	shalt  }
0x69: {  	_ =	shalt  }
0x6a: {  	_ =	shalt  }
0x6b: {  	_ =	shalt  }
0x6c: {  	_ =	shalt  }
0x6d: {  	_ =	shalt  }
0x6e: {  	_ =	shalt  }
0x6f: {  	_ =	shalt  }
0x70: {  	_ =	shalt  }
0x71: {  	_ =	shalt  }
0x72: {  	_ =	shalt  }
0x73: {  	_ =	shalt  }
0x74: {  	_ =	shalt  }
0x75: {  	_ =	shalt  }
0x76: {  	_ =	shalt  }
0x77: {  	_ =	shalt  }
0x78: {  	_ =	shalt  }
0x79: {  	_ =	shalt  }
0x7a: {  	_ =	shalt  }
0x7b: {  	_ =	shalt  }
0x7c: {  	_ =	shalt  }
0x7d: {  	_ =	shalt  }
0x7e: {  	_ =	shalt  }
0x7f: {  	_ =	shalt  }
0x80: {  	_ =	shalt  }
0x81: {  	_ =	shalt  }
0x82: {  	_ =	shalt  }
0x83: {  	_ =	shalt  }
0x84: {  	_ =	shalt  }
0x85: {  	_ =	shalt  }
0x86: {  	_ =	shalt  }
0x87: {  	_ =	shalt  }
.Lfunc_end0:
.L_simem_size_0:
called_computation_lowered:
.L_overlay_start_0:
0x88: {  	s2 =	sld [smem:$0x3FD9]  }
0x89: {  	s3 =	sld [smem:$0x3FFE];
	_ =	sdelay $0x1  }
0x8a: {  	s1 =	srdreg.scid  }
0x8b: {  	s0 =	sand.u32 $0x1, s1  }
0x8c: {  	s17 =	sshll.u32 s0, $0xA;
	s2 =	sadd.s32 s3, s2  }
0x8d: {  	s2 =	sadd.s32 s2, s17  }
0x8e: {  	[smem:$0x3FC4] =	sst s2  }
0x8f: {  	_ = 	snop  }
0x90: {  	s2 =	sld [smem:$0x3FC8]  }
0x91: {  	s18 =	sld [smem:$0x3FD0];
	(tm) =	ssettm $0x1  }
0x92: {  	s4 =	sld [smem:$0x3FFB];
	_ =	sdelay $0x3  }
0x93: {  	_ =	strace s4  }
0x94: {  	s4 =	sld [smem:$0x3FFC];
	_ =	sdelay $0x3  }
0x95: {  	_ =	strace s4  }
0x96: {  	s4 =	sld [smem:$0x3FFD];
	_ =	sdelay $0x3  }
0x97: {  	_ =	strace s4  }
0x98: {  	_ =	strace $0x8FFFFFFF  }
0x99: {  	s19 =	sld [smem:$0x3FDB];
	_ =	sdelay $0x1  }
0x9a: {  	s5 =	simm.s32 $_scs_section_size  }
0x9b: {  	s6 =	simm.s32 $_size__tile_overlayer_lowered;
	s7 =	simm.s32 $_tile_overlayer_lowered  }
0x9c: {  	s22 =	simm.s32 $0x1BFF;
	s21 =	sshll.u32 s7, $0x1;
	s4 =	sadd.s32 s5, s19  }
0x9d: {  	s8 =	simm.s32 $0x0;
	s20 =	sshll.u32 s6, $0x1;
	s6 =	sadd.s32 s21, s4  }
0x9e: {  	[timem:s8], [sflag:s22] =	dma.local [hbm:s6], s20  }
0x9f: {  	_ =	swait.ge [sflag:s22], s20  }
0xa0: {  	s5 =	ssub.s32 $0x0, s20;
	[sflag:s22] =	ssyncset.done $0x0  }
0xa1: {  	[sflag:s22] =	ssyncadd.s32 s5;
	_ =	sdelay $0x1  }
0xa2: {  	s23 =	simm.s32 $0x1B8B  }
0xa3: {  	_ =	swait.ge [sflag:s23], $0x1  }
0xa4: {  	[sflag:s23] =	ssyncset.done $0x0  }
0xa5: {  	s25 =	simm.s32 $0x1B8E;
	s24 =	sld [smem:$0x3FFE];
	[sflag:s23] =	ssyncadd.s32 $0xFFFFFFFF  }
0xa6: {  	s26 =	simm.s32 $execute0_lowered;
	[smem:$0x3FD2] =	sst s25  }
0xa7: {  	s6 =	sshll.u32 s26, $0x1;
	_ =	strace $0x80000046;
	[dreg:$0x1] =	wrdreg $0xFFFFFFFF  }
0xa8: {  	s28 =	simm.s32 $_size_execute0_lowered;
	s4 =	sadd.s32 s4, s6;
	[dreg:$0x0] =	wrdreg $0x0  }
0xa9: {  	s6 =	sshll.u32 s28, $0x1;
	[dreg:$0x2] =	wrdreg s4  }
0xaa: {  	[dreg:$0x3] =	wrdreg s6  }
0xab: {  	[dreg:$0x4] =	wrdreg $0xC0  }
0xac: {  	_ =	task [dreg:s8], $0x5FFFF  }
0xad: {  	[dreg:$0x1] =	wrdreg $0xFFFFFFFF  }
0xae: {  	[dreg:$0x0] =	wrdreg $0x60  }
0xaf: {  	[dreg:$0x2] =	wrdreg s24  }
0xb0: {  	[dreg:$0x3] =	wrdreg s2  }
0xb1: {  	[dreg:$0x4] =	wrdreg s18  }
0xb2: {  	[dreg:$0x5] =	wrdreg $0x9  }
0xb3: {  	_ =	task.clear_ibuf [dreg:s8], $0x6FFFF;
	_ =	strace $0x90000046  }
0xb4: {  	s29 =	simm.s32 $0x9;
	_ =	strace $0x80000048  }
0xb5: {  	_ =	swait.ge [sflag:s29], $0x1  }
0xb6: {  	[sflag:s29] =	ssyncadd.s32 $0xFFFFFFFF  }
0xb7: {  	_ =	strace $0x90000048  }
0xb8: {  	_ =	sfence  }
0xb9: {  	s30 =	sld [smem:$0x0];
	_ =	sdelay $0x2  }
0xba: {  	s31 =	sshll.u32 s1, $0xD;
	s1 =	sshrl.u32 s1, $0x2  }
0xbb: {  	s3 =	sand.u32 $0x4000, s31;
	s1 =	sadd.s32 s1, s30  }
0xbc: {  	s0 =	sor.u32 s3, s0;
	s1 =	sshll.u32 s1, $0x11  }
0xbd: {  	s0 =	sor.u32 s1, s0  }
0xbe: {  	s0 =	sadd.s32 $0x8F2B, s0  }
0xbf: {  	[sflag:s0] =	ssyncadd.remote.s32 $0x1  }
0xc0: {  	_ =	sfence.sel $0xFFFF  }
0xc1: {  	[dreg:$0x0] =	wrdreg $0xFFFFFFFF;
	(pc) =	sbr.abs _section_cstart, $3  }
0xc2: {  	[dreg:$0x1] =	wrdreg $0xFFFFFFFF  }
0xc3: {  	_ =	task.clear_ibuf [dreg:s8], $0x2FFFF;
	_ =	strace $0x9FFFFFFF  }
0xc4: {  	(tm) =	ssettm $0x7FFFFFFF  }
0xc5: {  	_ =	shalt  }
tec
execute0_lowered:
.L_overlay_start_1:
0x0: {  	(tag) =	ssettag $0x1  }
0x1: {  	s3 =	rddreg [dreg:$0x0]  }
0x2: {  	s6 =	rddreg [dreg:$0x1]  }
0x3: {  	s1 =	srdreg.scid;
	s0 =	stileid.u32  }
0x4: {  	s9 =	rddreg [dreg:$0x2];
	s2 =	simm.s32 $0x0;
	s13 =	simm.s32 $0x1  }
0x5: {  	s14 =	simm.s32 $0x7980;
	s15 =	simm.s32 $0x8D00;
	s16 =	simm.s32 $0x2  }
0x6: {  	s17 =	simm.s32 $0xA080;
	s4 =	sand.u32 $0x1, s1;
	s5 =	sshll.u32 s0, $0x1  }
0x7: {  	s18 =	simm.s32 $0x4;
	s19 =	simm.s32 $0x3;
	s11 =	sor.u32 s4, s5  }
0x8: {  	s20 =	simm.s32 $0x0;
	s1 =	rddreg [dreg:$0x3];
	s5 =	smul.u32 $0x9C0, s11  }
0x9: {  	[smem:$0x7FF] =	sst s2;
	s3 =	sadd.s32 $0xA00, s3;
	s7 =	smul.u32 $0x4E00, s11  }
0xa: {  	_ =	strace $0x80000047;
	s4 =	ssub.s32 $0x2, s4;
	s10 =	smul.u32 $0x2700, s11  }
0xb: {  	s8 =	sshrl.u32 s4, $0x1;
	s30 =	smul.u32 $0x4E0, s11;
	p0 =	sne.s32 s11, $0x1F  }
.Ltmp0:
0xc: {  	s11 =	simm.s32 $0x2780;
	s12 =	ssub.s32 s4, s8;
	(pc) =	sbr.rel .LBB2_1-.Ltmp0, $4  }
0xd: {  	s4 =	sadd.s32 s6, s5;
	s29 =	sshrl.u32 s7, $0x3;
	s31 =	sshrl.u32 s10, $0x3  }
0xe: {  	s7 =	sadd.s32 s9, s30;
	s10 =	smax.u32 s12, $0x1;
	s12 =	simm.s32 $0x4E80  }
0xf: {  	s5 =	sadd.s32 s6, s29;
	s6 =	sadd.s32 $0x13800, s6;
	s8 =	sadd.s32 s9, s31  }
0x10: {  	s9 =	sadd.s32 $0x9C00, s9;
	s5 =	sadd.s32 $0x4E0, s5;
	s8 =	sadd.s32 $0x270, s8  }
.LBB2_8:
0x11: {  	_ =	sdelay $0x2  }
0x12: {  	v15 =	vld [tilespmem:s23+$0x7670]  }
0x13: {  	v0 =	vld.idx.msk [tilespmem:v0+s2+$0x0], $0xffff  }
0x14: {  	v1 =	vld.idx.msk [tilespmem:v1+s2+$0x0], $0xffff  }
0x15: {  	v2 =	vld.idx.msk [tilespmem:v2+s2+$0x0], $0xffff  }
0x16: {  	v3 =	vld.idx.msk [tilespmem:v3+s2+$0x0], $0xffff  }
0x17: {  	v5 =	vld.idx.msk [tilespmem:v5+s2+$0x0], $0xffff  }
0x18: {  	v7 =	vld.idx.msk [tilespmem:v7+s2+$0x0], $0xffff  }
0x19: {  	v14 =	vld.idx.msk [tilespmem:v14+s2+$0x0], $0xffff  }
0x1a: {  	v4 =	vld.idx.msk [tilespmem:v4+s2+$0x0], $0xffff  }
0x1b: {  	v6 =	vld.idx.msk [tilespmem:v6+s2+$0x0], $0xffff  }
0x1c: {  	v8 =	vld.idx.msk [tilespmem:v8+s2+$0x0], $0xffff  }
0x1d: {  	v9 =	vld.idx.msk [tilespmem:v9+s2+$0x0], $0xffff  }
0x1e: {  	v11 =	vld.idx.msk [tilespmem:v11+s2+$0x0], $0xffff  }
0x1f: {  	v12 =	vld.idx.msk [tilespmem:v12+s2+$0x0], $0xffff  }
0x20: {  	v13 =	vld.idx.msk [tilespmem:v13+s2+$0x0], $0xffff;
	v0 =	vmul.f32 v1, v0  }
0x21: {  	s21 =	sadd.s32 $0x80, s21;
	v59 =	vld.idx.msk [tilespmem:v10+s2+$0x0], $0xffff;
	v2 =	vmul.f32 v3, v2  }
0x22: {  	v60 =	vmul.f32 v7, v5;
	v15 =	vld.idx.msk [tilespmem:v15+s2+$0x0], $0xffff;
	[tilespmem:s21+$0xFFFFFF90] =	vst v0  }
0x23: {  	v61 =	vmul.f32 v6, v4;
	[tilespmem:s21+$0xFFFFFFA0] =	vst v2  }
0x24: {  	v62 =	vmul.f32 v9, v8;
	[tilespmem:s21+$0xFFFFFFB0] =	vst v60  }
0x25: {  	v63 =	vmul.f32 v12, v11;
	[tilespmem:s21+$0xFFFFFFC0] =	vst v61  }
0x26: {  	v1 =	vmul.f32 v59, v13;
	[tilespmem:s21+$0xFFFFFFD0] =	vst v62  }
0x27: {  	[tilespmem:s21+$0xFFFFFFE0] =	vst v63;
	v14 =	vmul.f32 v15, v14  }
0x28: {  	[tilespmem:s21+$0xFFFFFFF0] =	vst v1  }
0x29: {  	[tilespmem:s21+$0x0] =	vst v14  }
0x2a: {  	[hbm4b:s9+s2] =	stream.linear.scatter [tilespmem:s17], [sflag:$0x4], $0x200, $0x38;
	[tilespmem:$0xA280] =	vst v63  }
0x2b: {  	_ =	swait.ge [sflag:s18], $0x200  }
0x2c: {  	[sflag:s18] =	ssyncset.done $0x0  }
0x2d: {  	[sflag:s18] =	ssyncadd.s32 $0xFFFFFE00  }
.LBB2_9:
0x2e: {  	s20 =	sadd.s32 $0x1, s20  }
0x2f: {  	_ =	swait.ge [sflag:s19], $0x1380;
	p1 =	sne.s32 s20, s10  }
.Ltmp1:
0x30: {  	[sflag:s19] =	ssyncset.done $0x0;
	(pc) =	sbr.rel @!p1 .LBB2_10-.Ltmp1, $4  }
0x31: {  	[sflag:s19] =	ssyncadd.s32 $0xFFFFEC80  }
0x32: {  	_ =	swait.ge [sflag:s19], $0x1380  }
0x33: {  	[sflag:s19] =	ssyncset.done $0x0  }
0x34: {  	[sflag:s19] =	ssyncadd.s32 $0xFFFFEC80  }
.LBB2_1:
0x35: {  	[tilespmem:s2], [sflag:$0x1] =	stream.linear.gather [hbm4b:s3+s2], $0x2780, $0x38;
	[tilespmem:$0xA280] =	vst v63  }
0x36: {  	_ = 	snop  }
0x37: {  	[tilespmem:s11], [sflag:$0x1] =	stream.linear.gather [hbm4b:s4+s2], $0x2700, $0x38;
	[tilespmem:$0xA280] =	vst v63  }
0x38: {  	_ = 	snop  }
0x39: {  	[tilespmem:s12], [sflag:$0x1] =	stream.linear.gather [hbm4b:s5+s2], $0x2700, $0x38;
	[tilespmem:$0xA280] =	vst v63  }
0x3a: {  	s21 =	simm.s32 @!p0 $0x0;
	s22 =	simm.s32 @!p0 $0x7580  }
0x3b: {  	[tilespmem:s22], [sflag:$0x2] =	stream.linear.gather @!p0 [hbm4b:s6+s21], $0x400, $0x38;
	[tilespmem:$0xA280] =	vst v63  }
0x3c: {  	_ =	swait.ge [sflag:s13], $0x2780  }
0x3d: {  	[sflag:s13] =	ssyncset.done $0x0  }
0x3e: {  	[sflag:s13] =	ssyncadd.s32 $0xFFFFD880  }
0x3f: {  	_ =	swait.ge [sflag:s13], $0x2700  }
0x40: {  	[sflag:s13] =	ssyncset.done $0x0  }
0x41: {  	s21 =	simm.s32 $0x2800;
	[sflag:s13] =	ssyncadd.s32 $0xFFFFD900  }
0x42: {  	v2 =	vld [tilespmem:s21+$0xFFFFFF80]  }
0x43: {  	v3 =	vld [tilespmem:s21+$0x0]  }
0x44: {  	v10 =	vld [tilespmem:s21+$0xFFFFFF90]  }
0x45: {  	v11 =	vld [tilespmem:s21+$0x10]  }
0x46: {  	v12 =	vld [tilespmem:s21+$0xFFFFFFA0]  }
0x47: {  	v13 =	vld [tilespmem:s21+$0x20]  }
0x48: {  	v6 =	vld [tilespmem:s21+$0xFFFFFFB0]  }
0x49: {  	v7 =	vld [tilespmem:s21+$0x30]  }
0x4a: {  	v8 =	vld [tilespmem:s21+$0xFFFFFFC0]  }
0x4b: {  	v9 =	vld [tilespmem:s21+$0x40]  }
0x4c: {  	v4 =	vld [tilespmem:s21+$0xFFFFFFD0]  }
0x4d: {  	v5 =	vld [tilespmem:s21+$0x50]  }
0x4e: {  	v1 =	vld [tilespmem:s21+$0xFFFFFFE0]  }
0x4f: {  	v0 =	vld [tilespmem:s21+$0x60]  }
0x50: {  	v14 =	vld [tilespmem:s21+$0xFFFFFFF0]  }
0x51: {  	s23 =	simm.s32 $0x200;
	s22 =	simm.s32 $0x0;
	v15 =	vld [tilespmem:s21+$0x70]  }
.LBB2_2:
0x52: {  	p1 =	sne.s32 s23, $0x4C00;
	v2 =	vld.idx.msk [tilespmem:v2+s2+$0x0], $0xffff  }
0x53: {  	v3 =	vld.idx.msk [tilespmem:v3+s2+$0x0], $0xffff  }
0x54: {  	v10 =	vld.idx.msk [tilespmem:v10+s2+$0x0], $0xffff  }
0x55: {  	v11 =	vld.idx.msk [tilespmem:v11+s2+$0x0], $0xffff  }
0x56: {  	v12 =	vld.idx.msk [tilespmem:v12+s2+$0x0], $0xffff  }
0x57: {  	v13 =	vld.idx.msk [tilespmem:v13+s2+$0x0], $0xffff  }
0x58: {  	v14 =	vld.idx.msk [tilespmem:v14+s2+$0x0], $0xffff  }
0x59: {  	v3 =	vmul.f32 v3, v2;
	v15 =	vld.idx.msk [tilespmem:v15+s2+$0x0], $0xffff  }
0x5a: {  	v2 =	vld.idx.msk [tilespmem:v6+s2+$0x0], $0xffff  }
0x5b: {  	v6 =	vld.idx.msk [tilespmem:v7+s2+$0x0], $0xffff;
	v7 =	vmul.f32 v11, v10  }
0x5c: {  	v8 =	vld.idx.msk [tilespmem:v8+s2+$0x0], $0xffff  }
0x5d: {  	v11 =	vmul.f32 v13, v12;
	v9 =	vld.idx.msk [tilespmem:v9+s2+$0x0], $0xffff  }
0x5e: {  	v4 =	vld.idx.msk [tilespmem:v4+s2+$0x0], $0xffff  }
0x5f: {  	v10 =	vmul.f32 v15, v14;
	v5 =	vld.idx.msk [tilespmem:v5+s2+$0x0], $0xffff  }
0x60: {  	s24 =	sshra.s32 s22, $0x2;
	s22 =	smov.u32 s23;
	v1 =	vld.idx.msk [tilespmem:v1+s2+$0x0], $0xffff  }
0x61: {  	s21 =	sadd.s32 $0x100, s21;
	v6 =	vmul.f32 v6, v2;
	v0 =	vld.idx.msk [tilespmem:v0+s2+$0x0], $0xffff;
	[tilespmem:s24+$0x79F0] =	vst v10  }
0x62: {  	v2 =	vld [tilespmem:s21+$0xFFFFFF80];
	[tilespmem:s24+$0x7980] =	vst v3  }
0x63: {  	v3 =	vld [tilespmem:s21+$0x0];
	[tilespmem:s24+$0x7990] =	vst v7;
	v7 =	vmul.f32 v9, v8  }
0x64: {  	v10 =	vld [tilespmem:s21+$0xFFFFFF90];
	[tilespmem:s24+$0x79A0] =	vst v11  }
0x65: {  	v4 =	vmul.f32 v5, v4;
	v11 =	vld [tilespmem:s21+$0x10];
	[tilespmem:s24+$0x79B0] =	vst v6  }
0x66: {  	v12 =	vld [tilespmem:s21+$0xFFFFFFA0];
	[tilespmem:s24+$0x79C0] =	vst v7  }
0x67: {  	v0 =	vmul.f32 v0, v1;
	v13 =	vld [tilespmem:s21+$0x20];
	[tilespmem:s24+$0x79D0] =	vst v4  }
0x68: {  	v6 =	vld [tilespmem:s21+$0xFFFFFFB0]  }
0x69: {  	v7 =	vld [tilespmem:s21+$0x30];
	[tilespmem:s24+$0x79E0] =	vst v0  }
0x6a: {  	v8 =	vld [tilespmem:s21+$0xFFFFFFC0]  }
0x6b: {  	v9 =	vld [tilespmem:s21+$0x40]  }
0x6c: {  	v4 =	vld [tilespmem:s21+$0xFFFFFFD0]  }
.Ltmp2:
0x6d: {  	v5 =	vld [tilespmem:s21+$0x50];
	(pc) =	sbr.rel @p1 .LBB2_2-.Ltmp2, $4  }
0x6e: {  	v1 =	vld [tilespmem:s21+$0xFFFFFFE0]  }
0x6f: {  	v0 =	vld [tilespmem:s21+$0x60]  }
0x70: {  	v14 =	vld [tilespmem:s21+$0xFFFFFFF0]  }
0x71: {  	s23 =	sadd.s32 $0x200, s23;
	v15 =	vld [tilespmem:s21+$0x70]  }
0x72: {  	_ =	sdelay $0x3  }
0x73: {  	v2 =	vld.idx.msk [tilespmem:v2+s2+$0x0], $0xffff  }
0x74: {  	v3 =	vld.idx.msk [tilespmem:v3+s2+$0x0], $0xffff  }
0x75: {  	v10 =	vld.idx.msk [tilespmem:v10+s2+$0x0], $0xffff  }
0x76: {  	v11 =	vld.idx.msk [tilespmem:v11+s2+$0x0], $0xffff  }
0x77: {  	v12 =	vld.idx.msk [tilespmem:v12+s2+$0x0], $0xffff  }
0x78: {  	v13 =	vld.idx.msk [tilespmem:v13+s2+$0x0], $0xffff  }
0x79: {  	v6 =	vld.idx.msk [tilespmem:v6+s2+$0x0], $0xffff  }
0x7a: {  	v7 =	vld.idx.msk [tilespmem:v7+s2+$0x0], $0xffff  }
0x7b: {  	v8 =	vld.idx.msk [tilespmem:v8+s2+$0x0], $0xffff  }
0x7c: {  	v9 =	vld.idx.msk [tilespmem:v9+s2+$0x0], $0xffff  }
0x7d: {  	v4 =	vld.idx.msk [tilespmem:v4+s2+$0x0], $0xffff  }
0x7e: {  	v1 =	vld.idx.msk [tilespmem:v1+s2+$0x0], $0xffff  }
0x7f: {  	v0 =	vld.idx.msk [tilespmem:v0+s2+$0x0], $0xffff  }
0x80: {  	v14 =	vld.idx.msk [tilespmem:v14+s2+$0x0], $0xffff;
	v2 =	vmul.f32 v3, v2  }
0x81: {  	s21 =	sshra.s32 s22, $0x2;
	v15 =	vld.idx.msk [tilespmem:v15+s2+$0x0], $0xffff;
	v3 =	vmul.f32 v11, v10  }
0x82: {  	v5 =	vld.idx.msk [tilespmem:v5+s2+$0x0], $0xffff;
	v10 =	vmul.f32 v13, v12;
	[tilespmem:s21+$0x7980] =	vst v2  }
0x83: {  	v2 =	vmul.f32 v7, v6;
	[tilespmem:s21+$0x7990] =	vst v3  }
0x84: {  	v3 =	vmul.f32 v9, v8;
	[tilespmem:s21+$0x79A0] =	vst v10  }
0x85: {  	v0 =	vmul.f32 v0, v1;
	[tilespmem:s21+$0x79B0] =	vst v2  }
0x86: {  	v14 =	vmul.f32 v15, v14;
	[tilespmem:s21+$0x79C0] =	vst v3  }
0x87: {  	v2 =	vmul.f32 v5, v4;
	[tilespmem:s21+$0x79E0] =	vst v0  }
0x88: {  	[tilespmem:s21+$0x79F0] =	vst v14  }
0x89: {  	[tilespmem:s21+$0x79D0] =	vst v2;
	s21 =	simm.s32 $0x0  }
0x8a: {  	[hbm4b:s7+s21] =	stream.linear.scatter [tilespmem:s14], [sflag:$0x3], $0x1380, $0x38;
	[tilespmem:$0xA280] =	vst v63  }
0x8b: {  	_ =	swait.ge [sflag:s13], $0x2700  }
0x8c: {  	[sflag:s13] =	ssyncset.done $0x0  }
0x8d: {  	s22 =	simm.s32 $0x4F70;
	[sflag:s13] =	ssyncadd.s32 $0xFFFFD900  }
0x8e: {  	v2 =	vld [tilespmem:s22+$0xFFFFFF10]  }
0x8f: {  	v3 =	vld [tilespmem:s22+$0xFFFFFF90]  }
0x90: {  	v10 =	vld [tilespmem:s22+$0xFFFFFF20]  }
0x91: {  	v11 =	vld [tilespmem:s22+$0xFFFFFFA0]  }
0x92: {  	v12 =	vld [tilespmem:s22+$0xFFFFFF30]  }
0x93: {  	v13 =	vld [tilespmem:s22+$0xFFFFFFB0]  }
0x94: {  	v6 =	vld [tilespmem:s22+$0xFFFFFF40]  }
0x95: {  	v7 =	vld [tilespmem:s22+$0xFFFFFFC0]  }
0x96: {  	v8 =	vld [tilespmem:s22+$0xFFFFFF50]  }
0x97: {  	v9 =	vld [tilespmem:s22+$0xFFFFFFD0]  }
0x98: {  	v4 =	vld [tilespmem:s22+$0xFFFFFF60]  }
0x99: {  	v5 =	vld [tilespmem:s22+$0xFFFFFFE0]  }
0x9a: {  	v1 =	vld [tilespmem:s22+$0xFFFFFF70]  }
0x9b: {  	v0 =	vld [tilespmem:s22+$0xFFFFFFF0]  }
0x9c: {  	v14 =	vld [tilespmem:s22+$0xFFFFFF80]  }
0x9d: {  	s23 =	simm.s32 $0x200;
	v15 =	vld [tilespmem:s22+$0x0]  }
.LBB2_4:
0x9e: {  	p1 =	sne.s32 s23, $0x4C00;
	v2 =	vld.idx.msk [tilespmem:v2+s2+$0x0], $0xffff  }
0x9f: {  	v3 =	vld.idx.msk [tilespmem:v3+s2+$0x0], $0xffff  }
0xa0: {  	v10 =	vld.idx.msk [tilespmem:v10+s2+$0x0], $0xffff  }
0xa1: {  	v11 =	vld.idx.msk [tilespmem:v11+s2+$0x0], $0xffff  }
0xa2: {  	v12 =	vld.idx.msk [tilespmem:v12+s2+$0x0], $0xffff  }
0xa3: {  	v13 =	vld.idx.msk [tilespmem:v13+s2+$0x0], $0xffff  }
0xa4: {  	v14 =	vld.idx.msk [tilespmem:v14+s2+$0x0], $0xffff  }
0xa5: {  	v3 =	vmul.f32 v3, v2;
	v15 =	vld.idx.msk [tilespmem:v15+s2+$0x0], $0xffff  }
0xa6: {  	v2 =	vld.idx.msk [tilespmem:v6+s2+$0x0], $0xffff  }
0xa7: {  	v6 =	vld.idx.msk [tilespmem:v7+s2+$0x0], $0xffff;
	v7 =	vmul.f32 v11, v10  }
0xa8: {  	v8 =	vld.idx.msk [tilespmem:v8+s2+$0x0], $0xffff  }
0xa9: {  	v11 =	vmul.f32 v13, v12;
	v9 =	vld.idx.msk [tilespmem:v9+s2+$0x0], $0xffff  }
0xaa: {  	v4 =	vld.idx.msk [tilespmem:v4+s2+$0x0], $0xffff  }
0xab: {  	v10 =	vmul.f32 v15, v14;
	v5 =	vld.idx.msk [tilespmem:v5+s2+$0x0], $0xffff  }
0xac: {  	s24 =	sshra.s32 s21, $0x2;
	s21 =	smov.u32 s23;
	v1 =	vld.idx.msk [tilespmem:v1+s2+$0x0], $0xffff  }
0xad: {  	s22 =	sadd.s32 $0x100, s22;
	v6 =	vmul.f32 v6, v2;
	v0 =	vld.idx.msk [tilespmem:v0+s2+$0x0], $0xffff;
	[tilespmem:s24+$0x8D70] =	vst v10  }
0xae: {  	v2 =	vld [tilespmem:s22+$0xFFFFFF10];
	[tilespmem:s24+$0x8D00] =	vst v3  }
0xaf: {  	v3 =	vld [tilespmem:s22+$0xFFFFFF90];
	[tilespmem:s24+$0x8D10] =	vst v7;
	v7 =	vmul.f32 v9, v8  }
0xb0: {  	v10 =	vld [tilespmem:s22+$0xFFFFFF20];
	[tilespmem:s24+$0x8D20] =	vst v11  }
0xb1: {  	v4 =	vmul.f32 v5, v4;
	v11 =	vld [tilespmem:s22+$0xFFFFFFA0];
	[tilespmem:s24+$0x8D30] =	vst v6  }
0xb2: {  	v12 =	vld [tilespmem:s22+$0xFFFFFF30];
	[tilespmem:s24+$0x8D40] =	vst v7  }
0xb3: {  	v0 =	vmul.f32 v0, v1;
	v13 =	vld [tilespmem:s22+$0xFFFFFFB0];
	[tilespmem:s24+$0x8D50] =	vst v4  }
0xb4: {  	v6 =	vld [tilespmem:s22+$0xFFFFFF40]  }
0xb5: {  	v7 =	vld [tilespmem:s22+$0xFFFFFFC0];
	[tilespmem:s24+$0x8D60] =	vst v0  }
0xb6: {  	v8 =	vld [tilespmem:s22+$0xFFFFFF50]  }
0xb7: {  	v9 =	vld [tilespmem:s22+$0xFFFFFFD0]  }
0xb8: {  	v4 =	vld [tilespmem:s22+$0xFFFFFF60]  }
.Ltmp3:
0xb9: {  	v5 =	vld [tilespmem:s22+$0xFFFFFFE0];
	(pc) =	sbr.rel @p1 .LBB2_4-.Ltmp3, $4  }
0xba: {  	v1 =	vld [tilespmem:s22+$0xFFFFFF70]  }
0xbb: {  	v0 =	vld [tilespmem:s22+$0xFFFFFFF0]  }
0xbc: {  	v14 =	vld [tilespmem:s22+$0xFFFFFF80]  }
0xbd: {  	s23 =	sadd.s32 $0x200, s23;
	v15 =	vld [tilespmem:s22+$0x0]  }
0xbe: {  	_ =	sdelay $0x3  }
0xbf: {  	v2 =	vld.idx.msk [tilespmem:v2+s2+$0x0], $0xffff  }
0xc0: {  	v3 =	vld.idx.msk [tilespmem:v3+s2+$0x0], $0xffff  }
0xc1: {  	v10 =	vld.idx.msk [tilespmem:v10+s2+$0x0], $0xffff  }
0xc2: {  	v11 =	vld.idx.msk [tilespmem:v11+s2+$0x0], $0xffff  }
0xc3: {  	v12 =	vld.idx.msk [tilespmem:v12+s2+$0x0], $0xffff  }
0xc4: {  	v13 =	vld.idx.msk [tilespmem:v13+s2+$0x0], $0xffff  }
0xc5: {  	v6 =	vld.idx.msk [tilespmem:v6+s2+$0x0], $0xffff  }
0xc6: {  	v7 =	vld.idx.msk [tilespmem:v7+s2+$0x0], $0xffff  }
0xc7: {  	v8 =	vld.idx.msk [tilespmem:v8+s2+$0x0], $0xffff  }
0xc8: {  	v9 =	vld.idx.msk [tilespmem:v9+s2+$0x0], $0xffff  }
0xc9: {  	v4 =	vld.idx.msk [tilespmem:v4+s2+$0x0], $0xffff  }
0xca: {  	v5 =	vld.idx.msk [tilespmem:v5+s2+$0x0], $0xffff  }
0xcb: {  	v1 =	vld.idx.msk [tilespmem:v1+s2+$0x0], $0xffff  }
0xcc: {  	v0 =	vld.idx.msk [tilespmem:v0+s2+$0x0], $0xffff;
	v2 =	vmul.f32 v3, v2  }
0xcd: {  	s21 =	sshra.s32 s21, $0x2;
	v14 =	vld.idx.msk [tilespmem:v14+s2+$0x0], $0xffff;
	v59 =	vmul.f32 v11, v10  }
0xce: {  	v15 =	vld.idx.msk [tilespmem:v15+s2+$0x0], $0xffff;
	v60 =	vmul.f32 v13, v12;
	[tilespmem:s21+$0x8D00] =	vst v2  }
0xcf: {  	v61 =	vmul.f32 v7, v6;
	[tilespmem:s21+$0x8D10] =	vst v59  }
0xd0: {  	v62 =	vmul.f32 v9, v8;
	[tilespmem:s21+$0x8D20] =	vst v60  }
0xd1: {  	v63 =	vmul.f32 v5, v4;
	[tilespmem:s21+$0x8D30] =	vst v61  }
.Ltmp4:
0xd2: {  	[tilespmem:s21+$0x8D40] =	vst v62;
	v0 =	vmul.f32 v0, v1;
	(pc) =	sbr.rel @p0 .LBB2_9-.Ltmp4, $4  }
0xd3: {  	[tilespmem:s21+$0x8D50] =	vst v63;
	v14 =	vmul.f32 v15, v14  }
0xd4: {  	[tilespmem:s21+$0x8D60] =	vst v0  }
0xd5: {  	[tilespmem:s21+$0x8D70] =	vst v14  }
0xd6: {  	[hbm4b:s8+s2] =	stream.linear.scatter [tilespmem:s15], [sflag:$0x3], $0x1380, $0x38;
	[tilespmem:$0xA280] =	vst v63  }
0xd7: {  	_ =	swait.ge [sflag:s16], $0x400  }
0xd8: {  	[sflag:s16] =	ssyncset.done $0x0  }
0xd9: {  	s21 =	simm.s32 $0x0;
	[sflag:s16] =	ssyncadd.s32 $0xFFFFFC00  }
0xda: {  	v0 =	vld [tilespmem:s21+$0x7580]  }
0xdb: {  	v1 =	vld [tilespmem:s21+$0x7600]  }
0xdc: {  	v2 =	vld [tilespmem:s21+$0x7590]  }
0xdd: {  	v3 =	vld [tilespmem:s21+$0x7610]  }
0xde: {  	v4 =	vld [tilespmem:s21+$0x75A0]  }
0xdf: {  	v5 =	vld [tilespmem:s21+$0x7620]  }
0xe0: {  	v6 =	vld [tilespmem:s21+$0x75B0]  }
0xe1: {  	v7 =	vld [tilespmem:s21+$0x7630]  }
0xe2: {  	v8 =	vld [tilespmem:s21+$0x75C0]  }
0xe3: {  	v9 =	vld [tilespmem:s21+$0x7640]  }
0xe4: {  	v10 =	vld [tilespmem:s21+$0x75D0]  }
0xe5: {  	v11 =	vld [tilespmem:s21+$0x7650]  }
0xe6: {  	v12 =	vld [tilespmem:s21+$0x75E0]  }
0xe7: {  	v13 =	vld [tilespmem:s21+$0x7660]  }
0xe8: {  	v14 =	vld [tilespmem:s21+$0x75F0]  }
0xe9: {  	v15 =	vld [tilespmem:s21+$0x7670]  }
0xea: {  	v16 =	vld.idx.msk [tilespmem:v0+s2+$0x0], $0xffff  }
0xeb: {  	v17 =	vld.idx.msk [tilespmem:v1+s2+$0x0], $0xffff  }
0xec: {  	v18 =	vld.idx.msk [tilespmem:v2+s2+$0x0], $0xffff  }
0xed: {  	v19 =	vld.idx.msk [tilespmem:v3+s2+$0x0], $0xffff  }
0xee: {  	v20 =	vld.idx.msk [tilespmem:v4+s2+$0x0], $0xffff  }
0xef: {  	v21 =	vld.idx.msk [tilespmem:v5+s2+$0x0], $0xffff  }
0xf0: {  	v4 =	vld.idx.msk [tilespmem:v14+s2+$0x0], $0xffff  }
0xf1: {  	v14 =	vld.idx.msk [tilespmem:v15+s2+$0x0], $0xffff  }
0xf2: {  	v15 =	vld.idx.msk [tilespmem:v6+s2+$0x0], $0xffff  }
0xf3: {  	v22 =	vld.idx.msk [tilespmem:v7+s2+$0x0], $0xffff  }
0xf4: {  	v23 =	vld.idx.msk [tilespmem:v8+s2+$0x0], $0xffff  }
0xf5: {  	v24 =	vld.idx.msk [tilespmem:v9+s2+$0x0], $0xffff  }
0xf6: {  	v10 =	vld.idx.msk [tilespmem:v10+s2+$0x0], $0xffff  }
0xf7: {  	v25 =	vld.idx.msk [tilespmem:v11+s2+$0x0], $0xffff  }
0xf8: {  	v26 =	vld.idx.msk [tilespmem:v12+s2+$0x0], $0xffff  }
0xf9: {  	s23 =	simm.s32 $0x100;
	v13 =	vld.idx.msk [tilespmem:v13+s2+$0x0], $0xffff  }
0xfa: {  	v0 =	vld [tilespmem:s23+$0x7580]  }
0xfb: {  	v1 =	vld [tilespmem:s23+$0x7600]  }
0xfc: {  	v2 =	vld [tilespmem:s23+$0x7590]  }
0xfd: {  	v3 =	vld [tilespmem:s23+$0x7610]  }
0xfe: {  	v5 =	vld [tilespmem:s23+$0x75A0]  }
0xff: {  	v7 =	vld [tilespmem:s23+$0x7620];
	v6 =	vmul.f32 v14, v4  }
0x100: {  	s21 =	simm.s32 $0xA0F0;
	v8 =	vmul.f32 v17, v16;
	v4 =	vld [tilespmem:s23+$0x75B0]  }
0x101: {  	v9 =	vmul.f32 v19, v18;
	[tilespmem:s21+$0x0] =	vst v6;
	v6 =	vld [tilespmem:s23+$0x7630]  }
0x102: {  	v11 =	vmul.f32 v21, v20;
	[tilespmem:s21+$0xFFFFFF90] =	vst v8;
	v8 =	vld [tilespmem:s23+$0x75C0]  }
0x103: {  	v12 =	vmul.f32 v22, v15;
	[tilespmem:s21+$0xFFFFFFA0] =	vst v9;
	v9 =	vld [tilespmem:s23+$0x7640]  }
0x104: {  	v14 =	vmul.f32 v24, v23;
	[tilespmem:s21+$0xFFFFFFB0] =	vst v11;
	v11 =	vld [tilespmem:s23+$0x75D0]  }
0x105: {  	v10 =	vmul.f32 v25, v10;
	[tilespmem:s21+$0xFFFFFFC0] =	vst v12;
	v12 =	vld [tilespmem:s23+$0x7650]  }
0x106: {  	[tilespmem:s21+$0xFFFFFFD0] =	vst v14;
	v14 =	vmul.f32 v13, v26;
	v13 =	vld [tilespmem:s23+$0x75E0]  }
0x107: {  	[tilespmem:s21+$0xFFFFFFE0] =	vst v10;
	v10 =	vld [tilespmem:s23+$0x7660]  }
0x108: {  	s22 =	simm.s32 $0x800;
	[tilespmem:s21+$0xFFFFFFF0] =	vst v14;
	v14 =	vld [tilespmem:s23+$0x75F0]  }
.LBB2_7:
0x109: {  	p1 =	sne.s32 s22, $0xC00;
	v15 =	vld [tilespmem:s23+$0x7670]  }
0x10a: {  	v0 =	vld.idx.msk [tilespmem:v0+s2+$0x0], $0xffff  }
0x10b: {  	v1 =	vld.idx.msk [tilespmem:v1+s2+$0x0], $0xffff  }
0x10c: {  	v2 =	vld.idx.msk [tilespmem:v2+s2+$0x0], $0xffff  }
0x10d: {  	v3 =	vld.idx.msk [tilespmem:v3+s2+$0x0], $0xffff  }
0x10e: {  	v5 =	vld.idx.msk [tilespmem:v5+s2+$0x0], $0xffff  }
0x10f: {  	v7 =	vld.idx.msk [tilespmem:v7+s2+$0x0], $0xffff  }
0x110: {  	v14 =	vld.idx.msk [tilespmem:v14+s2+$0x0], $0xffff  }
0x111: {  	v1 =	vmul.f32 v1, v0;
	v15 =	vld.idx.msk [tilespmem:v15+s2+$0x0], $0xffff  }
0x112: {  	v0 =	vld.idx.msk [tilespmem:v4+s2+$0x0], $0xffff  }
0x113: {  	v2 =	vmul.f32 v3, v2;
	v4 =	vld.idx.msk [tilespmem:v6+s2+$0x0], $0xffff  }
0x114: {  	v3 =	vld.idx.msk [tilespmem:v8+s2+$0x0], $0xffff  }
0x115: {  	v5 =	vmul.f32 v7, v5;
	v6 =	vld.idx.msk [tilespmem:v9+s2+$0x0], $0xffff  }
0x116: {  	v7 =	vld.idx.msk [tilespmem:v11+s2+$0x0], $0xffff  }
0x117: {  	v9 =	vmul.f32 v15, v14;
	v8 =	vld.idx.msk [tilespmem:v12+s2+$0x0], $0xffff  }
0x118: {  	s21 =	sadd.s32 $0x80, s21;
	v11 =	vld.idx.msk [tilespmem:v13+s2+$0x0], $0xffff  }
0x119: {  	s23 =	sshra.s32 s22, $0x2;
	v4 =	vmul.f32 v4, v0;
	v10 =	vld.idx.msk [tilespmem:v10+s2+$0x0], $0xffff;
	[tilespmem:s21+$0x0] =	vst v9  }
0x11a: {  	v0 =	vld [tilespmem:s23+$0x7580];
	[tilespmem:s21+$0xFFFFFF90] =	vst v1  }
0x11b: {  	v6 =	vmul.f32 v6, v3;
	v1 =	vld [tilespmem:s23+$0x7600];
	[tilespmem:s21+$0xFFFFFFA0] =	vst v2  }
0x11c: {  	v2 =	vld [tilespmem:s23+$0x7590];
	[tilespmem:s21+$0xFFFFFFB0] =	vst v5  }
0x11d: {  	v3 =	vld [tilespmem:s23+$0x7610];
	[tilespmem:s21+$0xFFFFFFC0] =	vst v4;
	v4 =	vmul.f32 v8, v7  }
0x11e: {  	v5 =	vld [tilespmem:s23+$0x75A0];
	[tilespmem:s21+$0xFFFFFFD0] =	vst v6  }
0x11f: {  	v8 =	vmul.f32 v10, v11;
	v7 =	vld [tilespmem:s23+$0x7620];
	[tilespmem:s21+$0xFFFFFFE0] =	vst v4  }
0x120: {  	v4 =	vld [tilespmem:s23+$0x75B0]  }
0x121: {  	v6 =	vld [tilespmem:s23+$0x7630];
	[tilespmem:s21+$0xFFFFFFF0] =	vst v8  }
0x122: {  	v8 =	vld [tilespmem:s23+$0x75C0]  }
0x123: {  	v9 =	vld [tilespmem:s23+$0x7640]  }
.Ltmp5:
0x124: {  	v11 =	vld [tilespmem:s23+$0x75D0];
	(pc) =	sbr.rel @p1 .LBB2_7-.Ltmp5, $4  }
0x125: {  	v12 =	vld [tilespmem:s23+$0x7650]  }
0x126: {  	v13 =	vld [tilespmem:s23+$0x75E0]  }
0x127: {  	v10 =	vld [tilespmem:s23+$0x7660]  }
0x128: {  	s22 =	sadd.s32 $0x400, s22;
	v14 =	vld [tilespmem:s23+$0x75F0]  }
.Ltmp6:
0x129: {  	_ = 	snop;
	(pc) =	sbr.rel .LBB2_8-.Ltmp6, $1  }
0x12a: {  	_ =	sdelay $0x3  }
.LBB2_10:
0x12b: {  	_ =	sfence.sel $0x180000  }
0x12c: {  	[bflag:$0x0] =	sbarrier.arrive $0xFFFF  }
0x12d: {  	p0 =	sne.s32 s0, $0x0;
	_ =	strace $0x90000047  }
0x12e: {  	s0 =	sadd.s32 @!p0 $0x100000, s1;
	[bflag:$0x2] =	sbarrier.arrive $0xFFFF  }
0x12f: {  	[sflag:s0] =	ssyncadd.tile.s32 @!p0 $0x1;
	_ =	shalt  }
.Lfunc_end2:
_tile_overlayer_lowered:
.L_overlay_start_2:
0x130: {  	(tag) =	ssettag $0x2  }
0x131: {  	s0 =	rddreg [dreg:$0x0];
	s2 =	stileid.u32  }
0x132: {  	s1 =	rddreg [dreg:$0x1];
	p0 =	sne.s32 s2, $0x0  }
0x133: {  	s3 =	rddreg [dreg:$0x2];
	[bflag:$0x3] =	sbarrier.arrive $0xFFFF;
	s2 =	simm.s32 @!p0 $0x1C04  }
0x134: {  	[timem:s3], [sflag:s2] =	dma.local @!p0 [hbm:s0], s1  }
0x135: {  	s0 =	simm.s32 @!p0 $0x4  }
0x136: {  	_ =	swait.ge @!p0 [sflag:s0], s1  }
0x137: {  	s1 =	ssub.s32 @!p0 $0x0, s1;
	[sflag:s0] =	ssyncset.done @!p0 $0x0  }
0x138: {  	[sflag:s0] =	ssyncadd.s32 @!p0 s1  }
0x139: {  	[bflag:$0x3] =	sbarrier.arrive $0xFFFF  }
0x13a: {  	_ =	shalt  }

</sc_bundles>
